<compile_context>
chip_gen: v7x
topology: tpu7x:2x2x1
jax: 0.10.2.dev20260603
libtpu: 0.0.44.dev20260713+nightly
codegen_flags: <defaults>
</compile_context>

<pallas_src>
import functools

import jax
import jax.numpy as jnp
from jax import lax
from jax.experimental import pallas as pl
from jax.experimental.pallas import tpu as pltpu
from jax.experimental.pallas import tpu_sc as plsc

DIM = 64
SLEN = 50
NULL_IDX = 0
MAX_NORM = 10.0
_NC = 2
_NS = 16
_NW = _NC * _NS
_NB = 8
_PAIR = 2
_L = 16

_GATHER_DNUMS = lax.GatherDimensionNumbers(
    offset_dims=(), collapsed_slice_dims=(0,), start_index_map=(0,))


def _shuffle(x, perm):
    return lax.gather(x, perm[:, None], _GATHER_DNUMS, (1,),
                      mode=lax.GatherScatterMode.PROMISE_IN_BOUNDS)


def _lane_sum(x):
    lane = lax.iota(jnp.int32, _L)
    for sh in (1, 2, 4, 8):
        x = x + _shuffle(x, lane ^ sh)
    return x


def _pooled_embed(table, idx):
    bags = idx.shape[0]
    bpw = bags // _NW
    nchunk = bpw // _NB
    npair = nchunk // 2
    rpc = _NB * SLEN
    ipr = _PAIR * SLEN
    tpc = _NB // _PAIR
    mesh = plsc.VectorSubcoreMesh(core_axis_name="c", subcore_axis_name="s")

    @functools.partial(
        pl.kernel,
        mesh=mesh,
        out_type=jax.ShapeDtypeStruct((bags, DIM), jnp.float32),
        scratch_types=[
            pltpu.VMEM((bpw // _PAIR, ipr), jnp.int32),
            pltpu.VMEM((2, rpc, DIM), jnp.float32),
            pltpu.VMEM((bpw, DIM), jnp.float32),
            pltpu.SemaphoreType.DMA,
            pltpu.SemaphoreType.DMA,
        ],
        compiler_params=pltpu.CompilerParams(use_tc_tiling_on_sc=False),
    )
    def k(table_hbm, idx_hbm, out_hbm, idx_v, rows_v, out_v, sem_a, sem_b):
        wid = lax.axis_index("s") * _NC + lax.axis_index("c")
        base = wid * bpw
        pltpu.sync_copy(idx_hbm.at[pl.ds(wid * (bpw // _PAIR), bpw // _PAIR)],
                        idx_v)

        def fire(c, b, sem):
            for p in range(tpc):
                pltpu.async_copy(
                    table_hbm.at[idx_v.at[c * tpc + p]],
                    rows_v.at[b, pl.ds(p * ipr, ipr), :], sem)

        def drain(b, sem):
            pltpu.make_async_copy(table_hbm.at[pl.ds(0, rpc)],
                                  rows_v.at[b], sem).wait()

        def compute(c, b):
            rows_b = rows_v.at[b]

            def bag_body(j, carry2):
                jj = c * _NB + j
                ir = c * tpc + lax.div(j, _PAIR)
                ib = lax.rem(j, _PAIR) * SLEN
                i0 = idx_v[ir, pl.ds(ib, _L)]
                i1 = idx_v[ir, pl.ds(ib + _L, _L)]
                i2 = idx_v[ir, pl.ds(ib + 2 * _L, _L)]
                i3 = idx_v[ir, pl.ds(ib + SLEN - _L, _L)]
                lane = lax.iota(jnp.int32, _L)
                one = jnp.ones((_L,), jnp.float32)
                zero = jnp.zeros((_L,), jnp.float32)
                c_vec = (jnp.where(i0 != NULL_IDX, one, zero)
                         + jnp.where(i1 != NULL_IDX, one, zero)
                         + jnp.where(i2 != NULL_IDX, one, zero)
                         + jnp.where(
                             (i3 != NULL_IDX) & (lane >= 4 * _L - SLEN),
                             one, zero))
                cnt_f = _lane_sum(c_vec)
                row0 = j * SLEN

                def row_body(r, st):
                    a0, a1, a2, a3 = st
                    q = [rows_b[row0 + r, pl.ds(v * _L, _L)] for v in range(4)]
                    s = _lane_sum(q[0] * q[0] + q[1] * q[1]
                                  + q[2] * q[2] + q[3] * q[3])
                    s = jnp.maximum(s, 1.0)
                    bi = lax.bitcast_convert_type(s, jnp.int32)
                    bi = jnp.int32(0x5F375A86) - lax.shift_right_arithmetic(bi, 1)
                    y = lax.bitcast_convert_type(bi, jnp.float32)
                    h = -0.5 * s
                    y = y * (1.5 + h * y * y)
                    scale = jnp.minimum(1.0, MAX_NORM * y)
                    return (a0 + q[0] * scale, a1 + q[1] * scale,
                            a2 + q[2] * scale, a3 + q[3] * scale)

                z = jnp.zeros((_L,), jnp.float32)
                a0, a1, a2, a3 = lax.fori_loop(
                    0, SLEN, row_body, (z, z, z, z), unroll=5)
                inv = 1.0 / jnp.maximum(cnt_f, jnp.float32(1e-20))
                out_v[jj, pl.ds(0, _L)] = a0 * inv
                out_v[jj, pl.ds(_L, _L)] = a1 * inv
                out_v[jj, pl.ds(2 * _L, _L)] = a2 * inv
                out_v[jj, pl.ds(3 * _L, _L)] = a3 * inv
                return carry2

            lax.fori_loop(0, _NB, bag_body, 0)

        fire(0, 0, sem_a)

        def pair_body(i, carry):
            c0 = 2 * i
            fire(c0 + 1, 1, sem_b)
            drain(0, sem_a)
            compute(c0, 0)

            @pl.when(i < npair - 1)
            def _():
                fire(c0 + 2, 0, sem_a)

            drain(1, sem_b)
            compute(c0 + 1, 1)
            return carry

        lax.fori_loop(0, npair, pair_body, 0)
        pltpu.sync_copy(out_v, out_hbm.at[pl.ds(base, bpw)])

    return k(table, idx.reshape(bags // _PAIR, _PAIR * SLEN))


def kernel(xs, ys, table):
    idx = jnp.concatenate([xs, ys], axis=0)
    out = _pooled_embed(table, idx)
    b = xs.shape[0]
    return out[:b, None, :], out[b:, None, :]

# --- scband reference (transcript-rebuilt; emitter-appended) ---
"""Pipeline reference for scband-starspace-22265110463339 (READ-ONLY COPY).

The authoritative reference and input builder live on the scoring server;
editing this copy changes nothing except your own understanding.
"""

import jax, jax.numpy as jnp
import numpy as np

VOCAB = 1000000
DIM = 64
BSZ = 4096
SLEN = 50
NULL_IDX = 0
MAX_NORM = 10.0


def setup_inputs(seed: int = 0) -> dict:
    key = jax.random.key(seed)
    k1, k2, k3 = jax.random.split(key, 3)
    xs = jax.random.randint(k1, (BSZ, SLEN), 0, VOCAB, dtype=jnp.int64 if jax.config.jax_enable_x64 else jnp.int32).astype(jnp.int32)
    ys = jax.random.randint(k2, (BSZ, SLEN), 0, VOCAB, dtype=jnp.int64 if jax.config.jax_enable_x64 else jnp.int32).astype(jnp.int32)
    table = jax.random.normal(k3, (VOCAB, DIM), dtype=jnp.float32)
    # padding_idx row initialized to zero (nn.Embedding semantics)
    table = table.at[NULL_IDX].set(0.0)
    return {"xs": xs, "ys": ys, "table": table}


def _encode(idx, table):
    # embedding lookup with max_norm renormalization (applied to gathered rows;
    # mathematically equivalent to torch's in-place weight renorm for the fwd output)
    emb = jnp.take(table, idx, axis=0)  # [B, L, D]
    norms = jnp.linalg.norm(emb, axis=-1, keepdims=True)
    scale = jnp.minimum(1.0, MAX_NORM / jnp.maximum(norms, 1e-12))
    emb = emb * scale
    # tfidf=False path: mean over non-null tokens
    x_lens = jnp.sum((idx != NULL_IDX).astype(jnp.float32), axis=1, keepdims=True)
    return jnp.sum(emb, axis=1) / jnp.maximum(x_lens, 1e-20)


def reference(xs, ys, table):
    xs_emb = _encode(xs, table)  # [B, D]  (lins=0, so no linear layer applied)
    xs_emb = xs_emb[:, None, :]  # [B, 1, D]
    ys_emb = _encode(ys, table)[:, None, :]  # [B, 1, D]
    n = ys_emb.shape[1]
    xs_emb = jnp.concatenate([xs_emb for _ in range(n)], axis=1)
    return (xs_emb, ys_emb)

if __name__ == "__main__":
    import jax
    _d = setup_inputs()
    print(jax.jit(kernel)(*tuple(_d.values())))

</pallas_src>

<mosaic_0001>
#map = affine_map<(d0, d1) -> (0, 0)>
module attributes {stable_mosaic.version = 14 : i64} {
  func.func @k(%arg0: i32, %arg1: i32, %arg2: memref<1000000x64xf32, #tpu.memory_space<hbm>>, %arg3: memref<4096x100xi32, #tpu.memory_space<hbm>>, %arg4: memref<8192x64xf32, #tpu.memory_space<hbm>>, %arg5: memref<128x100xi32, #tpu.memory_space<vmem>>, %arg6: memref<2x400x64xf32, #tpu.memory_space<vmem>>, %arg7: memref<256x64xf32, #tpu.memory_space<vmem>>, %arg8: memref<!tpu.dma_semaphore, #tpu.memory_space<semaphore_mem>>, %arg9: memref<!tpu.dma_semaphore, #tpu.memory_space<semaphore_mem>>) attributes {dimension_semantics = [#tpu.dimension_semantics<core_parallel>, #tpu.dimension_semantics<subcore_parallel>], iteration_bounds = array<i64: 2, 16>, scalar_prefetch = 0 : i64, scratch_operands = 5 : i64, tpu.core_type = #tpu.core_type<sc_vector_subcore>, window_params = [{transform_indices = #map}, {transform_indices = #map}, {transform_indices = #map}]} {
    %mul3A = arith.constant 2 : i32
    %mul3A_0 = arith.muli %arg1, %mul3A : i32
    %add3A = arith.addi %mul3A_0, %arg0 : i32
    %mul3A_1 = arith.constant 256 : i32
    %mul3A_2 = arith.muli %add3A, %mul3A_1 : i32
    %mul3A_3 = arith.constant 128 : i32
    %mul3A_4 = arith.muli %add3A, %mul3A_3 : i32
    "tpu.region"() ({
      %run_scoped3A = tpu.sem_alloc : memref<!tpu.dma_semaphore, #tpu.memory_space<semaphore_mem>>
      %dma_start3A_57 = arith.constant 0 : i32
      %dma_start3A_58 = tpu.memref_slice %arg3[%mul3A_4, %dma_start3A_57] : memref<4096x100xi32, #tpu.memory_space<hbm>> -> memref<128x100xi32, #tpu.memory_space<hbm>>
      %dma_start3A_59 = arith.constant 0 : i32
      %dma_start3A_60 = tpu.memref_slice %arg3[%mul3A_4, %dma_start3A_59] : memref<4096x100xi32, #tpu.memory_space<hbm>> -> memref<128x100xi32, #tpu.memory_space<hbm>>
      tpu.enqueue_dma source(%dma_start3A_60 : memref<128x100xi32, #tpu.memory_space<hbm>>) target(%arg5 : memref<128x100xi32, #tpu.memory_space<vmem>>) target_semaphore(%run_scoped3A : memref<!tpu.dma_semaphore, #tpu.memory_space<semaphore_mem>>)
      %dma_wait3A = arith.constant 0 : i32
      %dma_wait3A_61 = tpu.memref_slice %arg3[%mul3A_4, %dma_wait3A] : memref<4096x100xi32, #tpu.memory_space<hbm>> -> memref<128x100xi32, #tpu.memory_space<hbm>>
      %dma_wait3A_62 = arith.constant 0 : i32
      %dma_wait3A_63 = tpu.memref_slice %arg3[%mul3A_4, %dma_wait3A_62] : memref<4096x100xi32, #tpu.memory_space<hbm>> -> memref<128x100xi32, #tpu.memory_space<hbm>>
      tpu.wait_dma2 semaphore(%run_scoped3A : memref<!tpu.dma_semaphore, #tpu.memory_space<semaphore_mem>>) src(%dma_wait3A_63 : memref<128x100xi32, #tpu.memory_space<hbm>>) dst(%arg5 : memref<128x100xi32, #tpu.memory_space<vmem>>)
      tpu.yield
    }) : () -> ()
    %dma_start3A = arith.constant 0 : i32
    %dma_start3A_5 = arith.constant 0 : i32
    %dma_start3A_6 = arith.constant 0 : i32
    %dma_start3A_7 = arith.constant 0 : i32
    %dma_start3A_8 = tpu.memref_slice %arg6[%dma_start3A_5, %dma_start3A_6, %dma_start3A_7] : memref<2x400x64xf32, #tpu.memory_space<vmem>> -> memref<1x100x64xf32, #tpu.memory_space<vmem>>
    %dma_start3A_9 = tpu.memref_squeeze %dma_start3A_8 : memref<1x100x64xf32, #tpu.memory_space<vmem>> -> memref<100x64xf32, #tpu.memory_space<vmem>>
    %dma_start3A_10 = arith.constant 0 : i32
    %dma_start3A_11 = tpu.memref_slice %arg5[%dma_start3A, %dma_start3A_10] : memref<128x100xi32, #tpu.memory_space<vmem>> -> memref<1x100xi32, #tpu.memory_space<vmem>>
    %dma_start3A_12 = tpu.memref_squeeze %dma_start3A_11 : memref<1x100xi32, #tpu.memory_space<vmem>> -> memref<100xi32, #tpu.memory_space<vmem>>
    %dma_start3A_13 = arith.constant 0 : i32
    %dma_start3A_14 = arith.constant 0 : i32
    %dma_start3A_15 = tpu.memref_slice %arg2[%dma_start3A_13, %dma_start3A_14] : memref<1000000x64xf32, #tpu.memory_space<hbm>> -> memref<1000000x64xf32, #tpu.memory_space<hbm>>
    tpu.enqueue_indirect_dma source(%dma_start3A_15 : memref<1000000x64xf32, #tpu.memory_space<hbm>>) target(%dma_start3A_9 : memref<100x64xf32, #tpu.memory_space<vmem>>) offsets(%dma_start3A_12 : memref<100xi32, #tpu.memory_space<vmem>>) semaphore(%arg8 : memref<!tpu.dma_semaphore, #tpu.memory_space<semaphore_mem>>)
    %dma_start3A_16 = arith.constant 1 : i32
    %dma_start3A_17 = arith.constant 0 : i32
    %dma_start3A_18 = arith.constant 100 : i32
    %dma_start3A_19 = arith.constant 0 : i32
    %dma_start3A_20 = tpu.memref_slice %arg6[%dma_start3A_17, %dma_start3A_18, %dma_start3A_19] : memref<2x400x64xf32, #tpu.memory_space<vmem>> -> memref<1x100x64xf32, #tpu.memory_space<vmem>>
    %dma_start3A_21 = tpu.memref_squeeze %dma_start3A_20 : memref<1x100x64xf32, #tpu.memory_space<vmem>> -> memref<100x64xf32, #tpu.memory_space<vmem>>
    %dma_start3A_22 = arith.constant 0 : i32
    %dma_start3A_23 = tpu.memref_slice %arg5[%dma_start3A_16, %dma_start3A_22] : memref<128x100xi32, #tpu.memory_space<vmem>> -> memref<1x100xi32, #tpu.memory_space<vmem>>
    %dma_start3A_24 = tpu.memref_squeeze %dma_start3A_23 : memref<1x100xi32, #tpu.memory_space<vmem>> -> memref<100xi32, #tpu.memory_space<vmem>>
    %dma_start3A_25 = arith.constant 0 : i32
    %dma_start3A_26 = arith.constant 0 : i32
    %dma_start3A_27 = tpu.memref_slice %arg2[%dma_start3A_25, %dma_start3A_26] : memref<1000000x64xf32, #tpu.memory_space<hbm>> -> memref<1000000x64xf32, #tpu.memory_space<hbm>>
    tpu.enqueue_indirect_dma source(%dma_start3A_27 : memref<1000000x64xf32, #tpu.memory_space<hbm>>) target(%dma_start3A_21 : memref<100x64xf32, #tpu.memory_space<vmem>>) offsets(%dma_start3A_24 : memref<100xi32, #tpu.memory_space<vmem>>) semaphore(%arg8 : memref<!tpu.dma_semaphore, #tpu.memory_space<semaphore_mem>>)
    %dma_start3A_28 = arith.constant 2 : i32
    %dma_start3A_29 = arith.constant 0 : i32
    %dma_start3A_30 = arith.constant 200 : i32
    %dma_start3A_31 = arith.constant 0 : i32
    %dma_start3A_32 = tpu.memref_slice %arg6[%dma_start3A_29, %dma_start3A_30, %dma_start3A_31] : memref<2x400x64xf32, #tpu.memory_space<vmem>> -> memref<1x100x64xf32, #tpu.memory_space<vmem>>
    %dma_start3A_33 = tpu.memref_squeeze %dma_start3A_32 : memref<1x100x64xf32, #tpu.memory_space<vmem>> -> memref<100x64xf32, #tpu.memory_space<vmem>>
    %dma_start3A_34 = arith.constant 0 : i32
    %dma_start3A_35 = tpu.memref_slice %arg5[%dma_start3A_28, %dma_start3A_34] : memref<128x100xi32, #tpu.memory_space<vmem>> -> memref<1x100xi32, #tpu.memory_space<vmem>>
    %dma_start3A_36 = tpu.memref_squeeze %dma_start3A_35 : memref<1x100xi32, #tpu.memory_space<vmem>> -> memref<100xi32, #tpu.memory_space<vmem>>
    %dma_start3A_37 = arith.constant 0 : i32
    %dma_start3A_38 = arith.constant 0 : i32
    %dma_start3A_39 = tpu.memref_slice %arg2[%dma_start3A_37, %dma_start3A_38] : memref<1000000x64xf32, #tpu.memory_space<hbm>> -> memref<1000000x64xf32, #tpu.memory_space<hbm>>
    tpu.enqueue_indirect_dma source(%dma_start3A_39 : memref<1000000x64xf32, #tpu.memory_space<hbm>>) target(%dma_start3A_33 : memref<100x64xf32, #tpu.memory_space<vmem>>) offsets(%dma_start3A_36 : memref<100xi32, #tpu.memory_space<vmem>>) semaphore(%arg8 : memref<!tpu.dma_semaphore, #tpu.memory_space<semaphore_mem>>)
    %dma_start3A_40 = arith.constant 3 : i32
    %dma_start3A_41 = arith.constant 0 : i32
    %dma_start3A_42 = arith.constant 300 : i32
    %dma_start3A_43 = arith.constant 0 : i32
    %dma_start3A_44 = tpu.memref_slice %arg6[%dma_start3A_41, %dma_start3A_42, %dma_start3A_43] : memref<2x400x64xf32, #tpu.memory_space<vmem>> -> memref<1x100x64xf32, #tpu.memory_space<vmem>>
    %dma_start3A_45 = tpu.memref_squeeze %dma_start3A_44 : memref<1x100x64xf32, #tpu.memory_space<vmem>> -> memref<100x64xf32, #tpu.memory_space<vmem>>
    %dma_start3A_46 = arith.constant 0 : i32
    %dma_start3A_47 = tpu.memref_slice %arg5[%dma_start3A_40, %dma_start3A_46] : memref<128x100xi32, #tpu.memory_space<vmem>> -> memref<1x100xi32, #tpu.memory_space<vmem>>
    %dma_start3A_48 = tpu.memref_squeeze %dma_start3A_47 : memref<1x100xi32, #tpu.memory_space<vmem>> -> memref<100xi32, #tpu.memory_space<vmem>>
    %dma_start3A_49 = arith.constant 0 : i32
    %dma_start3A_50 = arith.constant 0 : i32
    %dma_start3A_51 = tpu.memref_slice %arg2[%dma_start3A_49, %dma_start3A_50] : memref<1000000x64xf32, #tpu.memory_space<hbm>> -> memref<1000000x64xf32, #tpu.memory_space<hbm>>
    tpu.enqueue_indirect_dma source(%dma_start3A_51 : memref<1000000x64xf32, #tpu.memory_space<hbm>>) target(%dma_start3A_45 : memref<100x64xf32, #tpu.memory_space<vmem>>) offsets(%dma_start3A_48 : memref<100xi32, #tpu.memory_space<vmem>>) semaphore(%arg8 : memref<!tpu.dma_semaphore, #tpu.memory_space<semaphore_mem>>)
    %scan3A = arith.constant 0 : i32
    %scan3A_52 = arith.constant 0 : i32
    %scan3A_53 = arith.constant 16 : i32
    %scan3A_54 = arith.addi %scan3A_52, %scan3A_53 : i32
    %scan3A_55 = arith.constant 1 : i32
    scf.for %scan3A_57 = %scan3A_52 to %scan3A_54 step %scan3A_55  : i32 {
      %mul3A_58 = arith.constant 2 : i32
      %mul3A_59 = arith.muli %mul3A_58, %scan3A_57 : i32
      %add3A_60 = arith.constant 1 : i32
      %add3A_61 = arith.addi %mul3A_59, %add3A_60 : i32
      %mul3A_62 = arith.constant 4 : i32
      %mul3A_63 = arith.muli %add3A_61, %mul3A_62 : i32
      %add3A_64 = arith.constant 0 : i32
      %add3A_65 = arith.addi %mul3A_63, %add3A_64 : i32
      %dma_start3A_66 = arith.constant 1 : i32
      %dma_start3A_67 = arith.constant 0 : i32
      %dma_start3A_68 = arith.constant 0 : i32
      %dma_start3A_69 = tpu.memref_slice %arg6[%dma_start3A_66, %dma_start3A_67, %dma_start3A_68] : memref<2x400x64xf32, #tpu.memory_space<vmem>> -> memref<1x100x64xf32, #tpu.memory_space<vmem>>
      %dma_start3A_70 = tpu.memref_squeeze %dma_start3A_69 : memref<1x100x64xf32, #tpu.memory_space<vmem>> -> memref<100x64xf32, #tpu.memory_space<vmem>>
      %dma_start3A_71 = arith.constant 0 : i32
      %dma_start3A_72 = tpu.memref_slice %arg5[%add3A_65, %dma_start3A_71] : memref<128x100xi32, #tpu.memory_space<vmem>> -> memref<1x100xi32, #tpu.memory_space<vmem>>
      %dma_start3A_73 = tpu.memref_squeeze %dma_start3A_72 : memref<1x100xi32, #tpu.memory_space<vmem>> -> memref<100xi32, #tpu.memory_space<vmem>>
      %dma_start3A_74 = arith.constant 0 : i32
      %dma_start3A_75 = arith.constant 0 : i32
      %dma_start3A_76 = tpu.memref_slice %arg2[%dma_start3A_74, %dma_start3A_75] : memref<1000000x64xf32, #tpu.memory_space<hbm>> -> memref<1000000x64xf32, #tpu.memory_space<hbm>>
      tpu.enqueue_indirect_dma source(%dma_start3A_76 : memref<1000000x64xf32, #tpu.memory_space<hbm>>) target(%dma_start3A_70 : memref<100x64xf32, #tpu.memory_space<vmem>>) offsets(%dma_start3A_73 : memref<100xi32, #tpu.memory_space<vmem>>) semaphore(%arg9 : memref<!tpu.dma_semaphore, #tpu.memory_space<semaphore_mem>>)
      %mul3A_77 = arith.constant 4 : i32
      %mul3A_78 = arith.muli %add3A_61, %mul3A_77 : i32
      %add3A_79 = arith.constant 1 : i32
      %add3A_80 = arith.addi %mul3A_78, %add3A_79 : i32
      %dma_start3A_81 = arith.constant 1 : i32
      %dma_start3A_82 = arith.constant 100 : i32
      %dma_start3A_83 = arith.constant 0 : i32
      %dma_start3A_84 = tpu.memref_slice %arg6[%dma_start3A_81, %dma_start3A_82, %dma_start3A_83] : memref<2x400x64xf32, #tpu.memory_space<vmem>> -> memref<1x100x64xf32, #tpu.memory_space<vmem>>
      %dma_start3A_85 = tpu.memref_squeeze %dma_start3A_84 : memref<1x100x64xf32, #tpu.memory_space<vmem>> -> memref<100x64xf32, #tpu.memory_space<vmem>>
      %dma_start3A_86 = arith.constant 0 : i32
      %dma_start3A_87 = tpu.memref_slice %arg5[%add3A_80, %dma_start3A_86] : memref<128x100xi32, #tpu.memory_space<vmem>> -> memref<1x100xi32, #tpu.memory_space<vmem>>
      %dma_start3A_88 = tpu.memref_squeeze %dma_start3A_87 : memref<1x100xi32, #tpu.memory_space<vmem>> -> memref<100xi32, #tpu.memory_space<vmem>>
      %dma_start3A_89 = arith.constant 0 : i32
      %dma_start3A_90 = arith.constant 0 : i32
      %dma_start3A_91 = tpu.memref_slice %arg2[%dma_start3A_89, %dma_start3A_90] : memref<1000000x64xf32, #tpu.memory_space<hbm>> -> memref<1000000x64xf32, #tpu.memory_space<hbm>>
      tpu.enqueue_indirect_dma source(%dma_start3A_91 : memref<1000000x64xf32, #tpu.memory_space<hbm>>) target(%dma_start3A_85 : memref<100x64xf32, #tpu.memory_space<vmem>>) offsets(%dma_start3A_88 : memref<100xi32, #tpu.memory_space<vmem>>) semaphore(%arg9 : memref<!tpu.dma_semaphore, #tpu.memory_space<semaphore_mem>>)
      %mul3A_92 = arith.constant 4 : i32
      %mul3A_93 = arith.muli %add3A_61, %mul3A_92 : i32
      %add3A_94 = arith.constant 2 : i32
      %add3A_95 = arith.addi %mul3A_93, %add3A_94 : i32
      %dma_start3A_96 = arith.constant 1 : i32
      %dma_start3A_97 = arith.constant 200 : i32
      %dma_start3A_98 = arith.constant 0 : i32
      %dma_start3A_99 = tpu.memref_slice %arg6[%dma_start3A_96, %dma_start3A_97, %dma_start3A_98] : memref<2x400x64xf32, #tpu.memory_space<vmem>> -> memref<1x100x64xf32, #tpu.memory_space<vmem>>
      %dma_start3A_100 = tpu.memref_squeeze %dma_start3A_99 : memref<1x100x64xf32, #tpu.memory_space<vmem>> -> memref<100x64xf32, #tpu.memory_space<vmem>>
      %dma_start3A_101 = arith.constant 0 : i32
      %dma_start3A_102 = tpu.memref_slice %arg5[%add3A_95, %dma_start3A_101] : memref<128x100xi32, #tpu.memory_space<vmem>> -> memref<1x100xi32, #tpu.memory_space<vmem>>
      %dma_start3A_103 = tpu.memref_squeeze %dma_start3A_102 : memref<1x100xi32, #tpu.memory_space<vmem>> -> memref<100xi32, #tpu.memory_space<vmem>>
      %dma_start3A_104 = arith.constant 0 : i32
      %dma_start3A_105 = arith.constant 0 : i32
      %dma_start3A_106 = tpu.memref_slice %arg2[%dma_start3A_104, %dma_start3A_105] : memref<1000000x64xf32, #tpu.memory_space<hbm>> -> memref<1000000x64xf32, #tpu.memory_space<hbm>>
      tpu.enqueue_indirect_dma source(%dma_start3A_106 : memref<1000000x64xf32, #tpu.memory_space<hbm>>) target(%dma_start3A_100 : memref<100x64xf32, #tpu.memory_space<vmem>>) offsets(%dma_start3A_103 : memref<100xi32, #tpu.memory_space<vmem>>) semaphore(%arg9 : memref<!tpu.dma_semaphore, #tpu.memory_space<semaphore_mem>>)
      %mul3A_107 = arith.constant 4 : i32
      %mul3A_108 = arith.muli %add3A_61, %mul3A_107 : i32
      %add3A_109 = arith.constant 3 : i32
      %add3A_110 = arith.addi %mul3A_108, %add3A_109 : i32
      %dma_start3A_111 = arith.constant 1 : i32
      %dma_start3A_112 = arith.constant 300 : i32
      %dma_start3A_113 = arith.constant 0 : i32
      %dma_start3A_114 = tpu.memref_slice %arg6[%dma_start3A_111, %dma_start3A_112, %dma_start3A_113] : memref<2x400x64xf32, #tpu.memory_space<vmem>> -> memref<1x100x64xf32, #tpu.memory_space<vmem>>
      %dma_start3A_115 = tpu.memref_squeeze %dma_start3A_114 : memref<1x100x64xf32, #tpu.memory_space<vmem>> -> memref<100x64xf32, #tpu.memory_space<vmem>>
      %dma_start3A_116 = arith.constant 0 : i32
      %dma_start3A_117 = tpu.memref_slice %arg5[%add3A_110, %dma_start3A_116] : memref<128x100xi32, #tpu.memory_space<vmem>> -> memref<1x100xi32, #tpu.memory_space<vmem>>
      %dma_start3A_118 = tpu.memref_squeeze %dma_start3A_117 : memref<1x100xi32, #tpu.memory_space<vmem>> -> memref<100xi32, #tpu.memory_space<vmem>>
      %dma_start3A_119 = arith.constant 0 : i32
      %dma_start3A_120 = arith.constant 0 : i32
      %dma_start3A_121 = tpu.memref_slice %arg2[%dma_start3A_119, %dma_start3A_120] : memref<1000000x64xf32, #tpu.memory_space<hbm>> -> memref<1000000x64xf32, #tpu.memory_space<hbm>>
      tpu.enqueue_indirect_dma source(%dma_start3A_121 : memref<1000000x64xf32, #tpu.memory_space<hbm>>) target(%dma_start3A_115 : memref<100x64xf32, #tpu.memory_space<vmem>>) offsets(%dma_start3A_118 : memref<100xi32, #tpu.memory_space<vmem>>) semaphore(%arg9 : memref<!tpu.dma_semaphore, #tpu.memory_space<semaphore_mem>>)
      %dma_wait3A = arith.constant 0 : i32
      %dma_wait3A_122 = arith.constant 0 : i32
      %dma_wait3A_123 = arith.constant 0 : i32
      %dma_wait3A_124 = tpu.memref_slice %arg6[%dma_wait3A, %dma_wait3A_122, %dma_wait3A_123] : memref<2x400x64xf32, #tpu.memory_space<vmem>> -> memref<1x400x64xf32, #tpu.memory_space<vmem>>
      %dma_wait3A_125 = tpu.memref_squeeze %dma_wait3A_124 : memref<1x400x64xf32, #tpu.memory_space<vmem>> -> memref<400x64xf32, #tpu.memory_space<vmem>>
      %dma_wait3A_126 = arith.constant 0 : i32
      %dma_wait3A_127 = arith.constant 0 : i32
      %dma_wait3A_128 = tpu.memref_slice %arg2[%dma_wait3A_126, %dma_wait3A_127] : memref<1000000x64xf32, #tpu.memory_space<hbm>> -> memref<400x64xf32, #tpu.memory_space<hbm>>
      %dma_wait3A_129 = arith.constant 0 : i32
      %dma_wait3A_130 = arith.constant 0 : i32
      %dma_wait3A_131 = tpu.memref_slice %arg6[%dma_wait3A, %dma_wait3A_129, %dma_wait3A_130] : memref<2x400x64xf32, #tpu.memory_space<vmem>> -> memref<1x400x64xf32, #tpu.memory_space<vmem>>
      %dma_wait3A_132 = tpu.memref_squeeze %dma_wait3A_131 : memref<1x400x64xf32, #tpu.memory_space<vmem>> -> memref<400x64xf32, #tpu.memory_space<vmem>>
      %dma_wait3A_133 = arith.constant 0 : i32
      %dma_wait3A_134 = arith.constant 0 : i32
      %dma_wait3A_135 = tpu.memref_slice %arg2[%dma_wait3A_133, %dma_wait3A_134] : memref<1000000x64xf32, #tpu.memory_space<hbm>> -> memref<400x64xf32, #tpu.memory_space<hbm>>
      tpu.wait_dma2 semaphore(%arg8 : memref<!tpu.dma_semaphore, #tpu.memory_space<semaphore_mem>>) src(%dma_wait3A_135 : memref<400x64xf32, #tpu.memory_space<hbm>>) dst(%dma_wait3A_132 : memref<400x64xf32, #tpu.memory_space<vmem>>)
      %scan3A_136 = arith.constant 0 : i32
      %scan3A_137 = arith.constant 0 : i32
      %scan3A_138 = arith.constant 0 : i32
      %scan3A_139 = arith.constant 8 : i32
      %scan3A_140 = arith.addi %scan3A_138, %scan3A_139 : i32
      %scan3A_141 = arith.constant 1 : i32
      scf.for %scan3A_169 = %scan3A_138 to %scan3A_140 step %scan3A_141  : i32 {
        %mul3A_170 = arith.constant 8 : i32
        %mul3A_171 = arith.muli %mul3A_59, %mul3A_170 : i32
        %add3A_172 = arith.addi %mul3A_171, %scan3A_169 : i32
        %mul3A_173 = arith.constant 4 : i32
        %mul3A_174 = arith.muli %mul3A_59, %mul3A_173 : i32
        %div3A = arith.constant 2 : i32
        %div3A_175 = arith.divsi %scan3A_169, %div3A : i32
        %add3A_176 = arith.addi %mul3A_174, %div3A_175 : i32
        %rem3A = arith.constant 2 : i32
        %rem3A_177 = arith.remsi %scan3A_169, %rem3A : i32
        %mul3A_178 = arith.constant 50 : i32
        %mul3A_179 = arith.muli %rem3A_177, %mul3A_178 : i32
        %get3A = arith.index_cast %add3A_176 : i32 to index
        %get3A_180 = arith.index_cast %mul3A_179 : i32 to index
        %get3A_181 = tpu.vector_load %arg5[%get3A, %get3A_180] {strides = array<i32>} : memref<128x100xi32, #tpu.memory_space<vmem>>, vector<1x16xi32>,
        %get3A_182 = vector.shape_cast %get3A_181 : vector<1x16xi32> to vector<16xi32>
        %add3A_183 = arith.constant 16 : i32
        %add3A_184 = arith.addi %mul3A_179, %add3A_183 : i32
        %get3A_185 = arith.index_cast %add3A_176 : i32 to index
        %get3A_186 = arith.index_cast %add3A_184 : i32 to index
        %get3A_187 = tpu.vector_load %arg5[%get3A_185, %get3A_186] {strides = array<i32>} : memref<128x100xi32, #tpu.memory_space<vmem>>, vector<1x16xi32>,
        %get3A_188 = vector.shape_cast %get3A_187 : vector<1x16xi32> to vector<16xi32>
        %add3A_189 = arith.constant 32 : i32
        %add3A_190 = arith.addi %mul3A_179, %add3A_189 : i32
        %get3A_191 = arith.index_cast %add3A_176 : i32 to index
        %get3A_192 = arith.index_cast %add3A_190 : i32 to index
        %get3A_193 = tpu.vector_load %arg5[%get3A_191, %get3A_192] {strides = array<i32>} : memref<128x100xi32, #tpu.memory_space<vmem>>, vector<1x16xi32>,
        %get3A_194 = vector.shape_cast %get3A_193 : vector<1x16xi32> to vector<16xi32>
        %add3A_195 = arith.constant 50 : i32
        %add3A_196 = arith.addi %mul3A_179, %add3A_195 : i32
        %sub3A = arith.constant 16 : i32
        %sub3A_197 = arith.subi %add3A_196, %sub3A : i32
        %get3A_198 = arith.index_cast %add3A_176 : i32 to index
        %get3A_199 = arith.index_cast %sub3A_197 : i32 to index
        %get3A_200 = tpu.vector_load %arg5[%get3A_198, %get3A_199] {strides = array<i32>} : memref<128x100xi32, #tpu.memory_space<vmem>>, vector<1x16xi32>,
        %get3A_201 = vector.shape_cast %get3A_200 : vector<1x16xi32> to vector<16xi32>
        %iota3A = tpu.iota {dimensions = array<i32: 0>} : vector<16xi32>
        %broadcast_in_dim3A = arith.constant 1.000000e+00 : f32
        %broadcast_in_dim3A_202 = vector.broadcast %broadcast_in_dim3A : f32 to vector<16xf32>
        %broadcast_in_dim3A_203 = arith.constant 0.000000e+00 : f32
        %broadcast_in_dim3A_204 = vector.broadcast %broadcast_in_dim3A_203 : f32 to vector<16xf32>
        %ne3A = arith.constant 0 : i32
        %ne3A_205 = vector.broadcast %ne3A : i32 to vector<16xi32>
        %ne3A_206 = arith.cmpi ne, %get3A_182, %ne3A_205 : vector<16xi32>
        %select_n3A = arith.select %ne3A_206, %broadcast_in_dim3A_202, %broadcast_in_dim3A_204 : vector<16xi1>, vector<16xf32>
        %ne3A_207 = arith.constant 0 : i32
        %ne3A_208 = vector.broadcast %ne3A_207 : i32 to vector<16xi32>
        %ne3A_209 = arith.cmpi ne, %get3A_188, %ne3A_208 : vector<16xi32>
        %select_n3A_210 = arith.select %ne3A_209, %broadcast_in_dim3A_202, %broadcast_in_dim3A_204 : vector<16xi1>, vector<16xf32>
        %add3A_211 = arith.addf %select_n3A, %select_n3A_210 : vector<16xf32>
        %ne3A_212 = arith.constant 0 : i32
        %ne3A_213 = vector.broadcast %ne3A_212 : i32 to vector<16xi32>
        %ne3A_214 = arith.cmpi ne, %get3A_194, %ne3A_213 : vector<16xi32>
        %select_n3A_215 = arith.select %ne3A_214, %broadcast_in_dim3A_202, %broadcast_in_dim3A_204 : vector<16xi1>, vector<16xf32>
        %add3A_216 = arith.addf %add3A_211, %select_n3A_215 : vector<16xf32>
        %ne3A_217 = arith.constant 0 : i32
        %ne3A_218 = vector.broadcast %ne3A_217 : i32 to vector<16xi32>
        %ne3A_219 = arith.cmpi ne, %get3A_201, %ne3A_218 : vector<16xi32>
        %ge3A = arith.constant 14 : i32
        %ge3A_220 = vector.broadcast %ge3A : i32 to vector<16xi32>
        %ge3A_221 = arith.cmpi sge, %iota3A, %ge3A_220 : vector<16xi32>
        %and3A = arith.andi %ne3A_219, %ge3A_221 : vector<16xi1>
        %select_n3A_222 = arith.select %and3A, %broadcast_in_dim3A_202, %broadcast_in_dim3A_204 : vector<16xi1>, vector<16xf32>
        %add3A_223 = arith.addf %add3A_216, %select_n3A_222 : vector<16xf32>
        %iota3A_224 = tpu.iota {dimensions = array<i32: 0>} : vector<16xi32>
        %xor3A = arith.constant 1 : i32
        %xor3A_225 = vector.broadcast %xor3A : i32 to vector<16xi32>
        %xor3A_226 = arith.xori %iota3A_224, %xor3A_225 : vector<16xi32>
        %broadcast_in_dim3A_227 = vector.shape_cast %xor3A_226 : vector<16xi32> to vector<16x1xi32>
        %gather3A = vector.shape_cast %broadcast_in_dim3A_227 : vector<16x1xi32> to vector<16xi32>
        %gather3A_228 = tpu.dynamic_gather %add3A_223[%gather3A] in [0] : vector<16xf32>, vector<16xi32> -> vector<16xf32>
        %add3A_229 = arith.addf %add3A_223, %gather3A_228 : vector<16xf32>
        %xor3A_230 = arith.constant 2 : i32
        %xor3A_231 = vector.broadcast %xor3A_230 : i32 to vector<16xi32>
        %xor3A_232 = arith.xori %iota3A_224, %xor3A_231 : vector<16xi32>
        %broadcast_in_dim3A_233 = vector.shape_cast %xor3A_232 : vector<16xi32> to vector<16x1xi32>
        %gather3A_234 = vector.shape_cast %broadcast_in_dim3A_233 : vector<16x1xi32> to vector<16xi32>
        %gather3A_235 = tpu.dynamic_gather %add3A_229[%gather3A_234] in [0] : vector<16xf32>, vector<16xi32> -> vector<16xf32>
        %add3A_236 = arith.addf %add3A_229, %gather3A_235 : vector<16xf32>
        %xor3A_237 = arith.constant 4 : i32
        %xor3A_238 = vector.broadcast %xor3A_237 : i32 to vector<16xi32>
        %xor3A_239 = arith.xori %iota3A_224, %xor3A_238 : vector<16xi32>
        %broadcast_in_dim3A_240 = vector.shape_cast %xor3A_239 : vector<16xi32> to vector<16x1xi32>
        %gather3A_241 = vector.shape_cast %broadcast_in_dim3A_240 : vector<16x1xi32> to vector<16xi32>
        %gather3A_242 = tpu.dynamic_gather %add3A_236[%gather3A_241] in [0] : vector<16xf32>, vector<16xi32> -> vector<16xf32>
        %add3A_243 = arith.addf %add3A_236, %gather3A_242 : vector<16xf32>
        %xor3A_244 = arith.constant 8 : i32
        %xor3A_245 = vector.broadcast %xor3A_244 : i32 to vector<16xi32>
        %xor3A_246 = arith.xori %iota3A_224, %xor3A_245 : vector<16xi32>
        %broadcast_in_dim3A_247 = vector.shape_cast %xor3A_246 : vector<16xi32> to vector<16x1xi32>
        %gather3A_248 = vector.shape_cast %broadcast_in_dim3A_247 : vector<16x1xi32> to vector<16xi32>
        %gather3A_249 = tpu.dynamic_gather %add3A_243[%gather3A_248] in [0] : vector<16xf32>, vector<16xi32> -> vector<16xf32>
        %add3A_250 = arith.addf %add3A_243, %gather3A_249 : vector<16xf32>
        %mul3A_251 = arith.constant 50 : i32
        %mul3A_252 = arith.muli %scan3A_169, %mul3A_251 : i32
        %broadcast_in_dim3A_253 = arith.constant 0.000000e+00 : f32
        %broadcast_in_dim3A_254 = vector.broadcast %broadcast_in_dim3A_253 : f32 to vector<16xf32>
        %scan3A_255 = arith.constant 0 : i32
        %scan3A_256 = arith.constant 50 : i32
        %scan3A_257 = arith.addi %scan3A_255, %scan3A_256 : i32
        %scan3A_258 = arith.constant 5 : i32
        %scan3A_259:4 = scf.for %scan3A_289 = %scan3A_255 to %scan3A_257 step %scan3A_258 iter_args(%scan3A_290 = %broadcast_in_dim3A_254, %scan3A_291 = %broadcast_in_dim3A_254, %scan3A_292 = %broadcast_in_dim3A_254, %scan3A_293 = %broadcast_in_dim3A_254) -> (vector<16xf32>, vector<16xf32>, vector<16xf32>, vector<16xf32>)  : i32 {
          %add3A_294 = arith.addi %mul3A_252, %scan3A_289 : i32
          %get3A_295 = arith.constant 0 : i32
          %get3A_296 = arith.constant 0 : i32
          %get3A_297 = tpu.memref_slice %arg6[%scan3A_137, %get3A_295, %get3A_296] : memref<2x400x64xf32, #tpu.memory_space<vmem>> -> memref<1x400x64xf32, #tpu.memory_space<vmem>>
          %get3A_298 = tpu.memref_squeeze %get3A_297 : memref<1x400x64xf32, #tpu.memory_space<vmem>> -> memref<400x64xf32, #tpu.memory_space<vmem>>
          %get3A_299 = arith.index_cast %add3A_294 : i32 to index
          %get3A_300 = arith.constant 0 : index
          %get3A_301 = tpu.vector_load %get3A_298[%get3A_299, %get3A_300] {strides = array<i32>} : memref<400x64xf32, #tpu.memory_space<vmem>>, vector<1x16xf32>,
          %get3A_302 = vector.shape_cast %get3A_301 : vector<1x16xf32> to vector<16xf32>
          %add3A_303 = arith.addi %mul3A_252, %scan3A_289 : i32
          %get3A_304 = arith.constant 0 : i32
          %get3A_305 = arith.constant 0 : i32
          %get3A_306 = tpu.memref_slice %arg6[%scan3A_137, %get3A_304, %get3A_305] : memref<2x400x64xf32, #tpu.memory_space<vmem>> -> memref<1x400x64xf32, #tpu.memory_space<vmem>>
          %get3A_307 = tpu.memref_squeeze %get3A_306 : memref<1x400x64xf32, #tpu.memory_space<vmem>> -> memref<400x64xf32, #tpu.memory_space<vmem>>
          %get3A_308 = arith.index_cast %add3A_303 : i32 to index
          %get3A_309 = arith.constant 16 : index
          %get3A_310 = tpu.vector_load %get3A_307[%get3A_308, %get3A_309] {strides = array<i32>} : memref<400x64xf32, #tpu.memory_space<vmem>>, vector<1x16xf32>,
          %get3A_311 = vector.shape_cast %get3A_310 : vector<1x16xf32> to vector<16xf32>
          %add3A_312 = arith.addi %mul3A_252, %scan3A_289 : i32
          %get3A_313 = arith.constant 0 : i32
          %get3A_314 = arith.constant 0 : i32
          %get3A_315 = tpu.memref_slice %arg6[%scan3A_137, %get3A_313, %get3A_314] : memref<2x400x64xf32, #tpu.memory_space<vmem>> -> memref<1x400x64xf32, #tpu.memory_space<vmem>>
          %get3A_316 = tpu.memref_squeeze %get3A_315 : memref<1x400x64xf32, #tpu.memory_space<vmem>> -> memref<400x64xf32, #tpu.memory_space<vmem>>
          %get3A_317 = arith.index_cast %add3A_312 : i32 to index
          %get3A_318 = arith.constant 32 : index
          %get3A_319 = tpu.vector_load %get3A_316[%get3A_317, %get3A_318] {strides = array<i32>} : memref<400x64xf32, #tpu.memory_space<vmem>>, vector<1x16xf32>,
          %get3A_320 = vector.shape_cast %get3A_319 : vector<1x16xf32> to vector<16xf32>
          %add3A_321 = arith.addi %mul3A_252, %scan3A_289 : i32
          %get3A_322 = arith.constant 0 : i32
          %get3A_323 = arith.constant 0 : i32
          %get3A_324 = tpu.memref_slice %arg6[%scan3A_137, %get3A_322, %get3A_323] : memref<2x400x64xf32, #tpu.memory_space<vmem>> -> memref<1x400x64xf32, #tpu.memory_space<vmem>>
          %get3A_325 = tpu.memref_squeeze %get3A_324 : memref<1x400x64xf32, #tpu.memory_space<vmem>> -> memref<400x64xf32, #tpu.memory_space<vmem>>
          %get3A_326 = arith.index_cast %add3A_321 : i32 to index
          %get3A_327 = arith.constant 48 : index
          %get3A_328 = tpu.vector_load %get3A_325[%get3A_326, %get3A_327] {strides = array<i32>} : memref<400x64xf32, #tpu.memory_space<vmem>>, vector<1x16xf32>,
          %get3A_329 = vector.shape_cast %get3A_328 : vector<1x16xf32> to vector<16xf32>
          %mul3A_330 = arith.mulf %get3A_302, %get3A_302 : vector<16xf32>
          %mul3A_331 = arith.mulf %get3A_311, %get3A_311 : vector<16xf32>
          %add3A_332 = arith.addf %mul3A_330, %mul3A_331 : vector<16xf32>
          %mul3A_333 = arith.mulf %get3A_320, %get3A_320 : vector<16xf32>
          %add3A_334 = arith.addf %add3A_332, %mul3A_333 : vector<16xf32>
          %mul3A_335 = arith.mulf %get3A_329, %get3A_329 : vector<16xf32>
          %add3A_336 = arith.addf %add3A_334, %mul3A_335 : vector<16xf32>
          %iota3A_337 = tpu.iota {dimensions = array<i32: 0>} : vector<16xi32>
          %xor3A_338 = arith.constant 1 : i32
          %xor3A_339 = vector.broadcast %xor3A_338 : i32 to vector<16xi32>
          %xor3A_340 = arith.xori %iota3A_337, %xor3A_339 : vector<16xi32>
          %broadcast_in_dim3A_341 = vector.shape_cast %xor3A_340 : vector<16xi32> to vector<16x1xi32>
          %gather3A_342 = vector.shape_cast %broadcast_in_dim3A_341 : vector<16x1xi32> to vector<16xi32>
          %gather3A_343 = tpu.dynamic_gather %add3A_336[%gather3A_342] in [0] : vector<16xf32>, vector<16xi32> -> vector<16xf32>
          %add3A_344 = arith.addf %add3A_336, %gather3A_343 : vector<16xf32>
          %xor3A_345 = arith.constant 2 : i32
          %xor3A_346 = vector.broadcast %xor3A_345 : i32 to vector<16xi32>
          %xor3A_347 = arith.xori %iota3A_337, %xor3A_346 : vector<16xi32>
          %broadcast_in_dim3A_348 = vector.shape_cast %xor3A_347 : vector<16xi32> to vector<16x1xi32>
          %gather3A_349 = vector.shape_cast %broadcast_in_dim3A_348 : vector<16x1xi32> to vector<16xi32>
          %gather3A_350 = tpu.dynamic_gather %add3A_344[%gather3A_349] in [0] : vector<16xf32>, vector<16xi32> -> vector<16xf32>
          %add3A_351 = arith.addf %add3A_344, %gather3A_350 : vector<16xf32>
          %xor3A_352 = arith.constant 4 : i32
          %xor3A_353 = vector.broadcast %xor3A_352 : i32 to vector<16xi32>
          %xor3A_354 = arith.xori %iota3A_337, %xor3A_353 : vector<16xi32>
          %broadcast_in_dim3A_355 = vector.shape_cast %xor3A_354 : vector<16xi32> to vector<16x1xi32>
          %gather3A_356 = vector.shape_cast %broadcast_in_dim3A_355 : vector<16x1xi32> to vector<16xi32>
          %gather3A_357 = tpu.dynamic_gather %add3A_351[%gather3A_356] in [0] : vector<16xf32>, vector<16xi32> -> vector<16xf32>
          %add3A_358 = arith.addf %add3A_351, %gather3A_357 : vector<16xf32>
          %xor3A_359 = arith.constant 8 : i32
          %xor3A_360 = vector.broadcast %xor3A_359 : i32 to vector<16xi32>
          %xor3A_361 = arith.xori %iota3A_337, %xor3A_360 : vector<16xi32>
          %broadcast_in_dim3A_362 = vector.shape_cast %xor3A_361 : vector<16xi32> to vector<16x1xi32>
          %gather3A_363 = vector.shape_cast %broadcast_in_dim3A_362 : vector<16x1xi32> to vector<16xi32>
          %gather3A_364 = tpu.dynamic_gather %add3A_358[%gather3A_363] in [0] : vector<16xf32>, vector<16xi32> -> vector<16xf32>
          %add3A_365 = arith.addf %add3A_358, %gather3A_364 : vector<16xf32>
          %max3A_366 = arith.constant 1.000000e+00 : f32
          %max3A_367 = vector.broadcast %max3A_366 : f32 to vector<16xf32>
          %max3A_368 = arith.maximumf %add3A_365, %max3A_367 : vector<16xf32>
          %bitcast_convert_type3A = tpu.bitcast %max3A_368 : vector<16xf32> -> vector<16xi32>
          %shift_right_arithmetic3A = arith.constant 1 : i32
          %shift_right_arithmetic3A_369 = vector.broadcast %shift_right_arithmetic3A : i32 to vector<16xi32>
          %shift_right_arithmetic3A_370 = arith.shrsi %bitcast_convert_type3A, %shift_right_arithmetic3A_369 : vector<16xi32>
          %sub3A_371 = arith.constant 1597463174 : i32
          %sub3A_372 = vector.broadcast %sub3A_371 : i32 to vector<16xi32>
          %sub3A_373 = arith.subi %sub3A_372, %shift_right_arithmetic3A_370 : vector<16xi32>
          %bitcast_convert_type3A_374 = tpu.bitcast %sub3A_373 : vector<16xi32> -> vector<16xf32>
          %mul3A_375 = arith.constant -5.000000e-01 : f32
          %mul3A_376 = vector.broadcast %mul3A_375 : f32 to vector<16xf32>
          %mul3A_377 = arith.mulf %mul3A_376, %max3A_368 : vector<16xf32>
          %mul3A_378 = arith.mulf %mul3A_377, %bitcast_convert_type3A_374 : vector<16xf32>
          %mul3A_379 = arith.mulf %mul3A_378, %bitcast_convert_type3A_374 : vector<16xf32>
          %add3A_380 = arith.constant 1.500000e+00 : f32
          %add3A_381 = vector.broadcast %add3A_380 : f32 to vector<16xf32>
          %add3A_382 = arith.addf %add3A_381, %mul3A_379 : vector<16xf32>
          %mul3A_383 = arith.mulf %bitcast_convert_type3A_374, %add3A_382 : vector<16xf32>
          %mul3A_384 = arith.constant 1.000000e+01 : f32
          %mul3A_385 = vector.broadcast %mul3A_384 : f32 to vector<16xf32>
          %mul3A_386 = arith.mulf %mul3A_385, %mul3A_383 : vector<16xf32>
          %min3A = arith.constant 1.000000e+00 : f32
          %min3A_387 = vector.broadcast %min3A : f32 to vector<16xf32>
          %min3A_388 = arith.minimumf %min3A_387, %mul3A_386 : vector<16xf32>
          %mul3A_389 = arith.mulf %get3A_302, %min3A_388 : vector<16xf32>
          %add3A_390 = arith.addf %scan3A_290, %mul3A_389 : vector<16xf32>
          %mul3A_391 = arith.mulf %get3A_311, %min3A_388 : vector<16xf32>
          %add3A_392 = arith.addf %scan3A_291, %mul3A_391 : vector<16xf32>
          %mul3A_393 = arith.mulf %get3A_320, %min3A_388 : vector<16xf32>
          %add3A_394 = arith.addf %scan3A_292, %mul3A_393 : vector<16xf32>
          %mul3A_395 = arith.mulf %get3A_329, %min3A_388 : vector<16xf32>
          %add3A_396 = arith.addf %scan3A_293, %mul3A_395 : vector<16xf32>
          %scan3A_397 = arith.constant 1 : i32
          %scan3A_398 = arith.addi %scan3A_289, %scan3A_397 : i32
          %add3A_399 = arith.addi %mul3A_252, %scan3A_398 : i32
          %get3A_400 = arith.constant 0 : i32
          %get3A_401 = arith.constant 0 : i32
          %get3A_402 = tpu.memref_slice %arg6[%scan3A_137, %get3A_400, %get3A_401] : memref<2x400x64xf32, #tpu.memory_space<vmem>> -> memref<1x400x64xf32, #tpu.memory_space<vmem>>
          %get3A_403 = tpu.memref_squeeze %get3A_402 : memref<1x400x64xf32, #tpu.memory_space<vmem>> -> memref<400x64xf32, #tpu.memory_space<vmem>>
          %get3A_404 = arith.index_cast %add3A_399 : i32 to index
          %get3A_405 = arith.constant 0 : index
          %get3A_406 = tpu.vector_load %get3A_403[%get3A_404, %get3A_405] {strides = array<i32>} : memref<400x64xf32, #tpu.memory_space<vmem>>, vector<1x16xf32>,
          %get3A_407 = vector.shape_cast %get3A_406 : vector<1x16xf32> to vector<16xf32>
          %add3A_408 = arith.addi %mul3A_252, %scan3A_398 : i32
          %get3A_409 = arith.constant 0 : i32
          %get3A_410 = arith.constant 0 : i32
          %get3A_411 = tpu.memref_slice %arg6[%scan3A_137, %get3A_409, %get3A_410] : memref<2x400x64xf32, #tpu.memory_space<vmem>> -> memref<1x400x64xf32, #tpu.memory_space<vmem>>
          %get3A_412 = tpu.memref_squeeze %get3A_411 : memref<1x400x64xf32, #tpu.memory_space<vmem>> -> memref<400x64xf32, #tpu.memory_space<vmem>>
          %get3A_413 = arith.index_cast %add3A_408 : i32 to index
          %get3A_414 = arith.constant 16 : index
          %get3A_415 = tpu.vector_load %get3A_412[%get3A_413, %get3A_414] {strides = array<i32>} : memref<400x64xf32, #tpu.memory_space<vmem>>, vector<1x16xf32>,
          %get3A_416 = vector.shape_cast %get3A_415 : vector<1x16xf32> to vector<16xf32>
          %add3A_417 = arith.addi %mul3A_252, %scan3A_398 : i32
          %get3A_418 = arith.constant 0 : i32
          %get3A_419 = arith.constant 0 : i32
          %get3A_420 = tpu.memref_slice %arg6[%scan3A_137, %get3A_418, %get3A_419] : memref<2x400x64xf32, #tpu.memory_space<vmem>> -> memref<1x400x64xf32, #tpu.memory_space<vmem>>
          %get3A_421 = tpu.memref_squeeze %get3A_420 : memref<1x400x64xf32, #tpu.memory_space<vmem>> -> memref<400x64xf32, #tpu.memory_space<vmem>>
          %get3A_422 = arith.index_cast %add3A_417 : i32 to index
          %get3A_423 = arith.constant 32 : index
          %get3A_424 = tpu.vector_load %get3A_421[%get3A_422, %get3A_423] {strides = array<i32>} : memref<400x64xf32, #tpu.memory_space<vmem>>, vector<1x16xf32>,
          %get3A_425 = vector.shape_cast %get3A_424 : vector<1x16xf32> to vector<16xf32>
          %add3A_426 = arith.addi %mul3A_252, %scan3A_398 : i32
          %get3A_427 = arith.constant 0 : i32
          %get3A_428 = arith.constant 0 : i32
          %get3A_429 = tpu.memref_slice %arg6[%scan3A_137, %get3A_427, %get3A_428] : memref<2x400x64xf32, #tpu.memory_space<vmem>> -> memref<1x400x64xf32, #tpu.memory_space<vmem>>
          %get3A_430 = tpu.memref_squeeze %get3A_429 : memref<1x400x64xf32, #tpu.memory_space<vmem>> -> memref<400x64xf32, #tpu.memory_space<vmem>>
          %get3A_431 = arith.index_cast %add3A_426 : i32 to index
          %get3A_432 = arith.constant 48 : index
          %get3A_433 = tpu.vector_load %get3A_430[%get3A_431, %get3A_432] {strides = array<i32>} : memref<400x64xf32, #tpu.memory_space<vmem>>, vector<1x16xf32>,
          %get3A_434 = vector.shape_cast %get3A_433 : vector<1x16xf32> to vector<16xf32>
          %mul3A_435 = arith.mulf %get3A_407, %get3A_407 : vector<16xf32>
          %mul3A_436 = arith.mulf %get3A_416, %get3A_416 : vector<16xf32>
          %add3A_437 = arith.addf %mul3A_435, %mul3A_436 : vector<16xf32>
          %mul3A_438 = arith.mulf %get3A_425, %get3A_425 : vector<16xf32>
          %add3A_439 = arith.addf %add3A_437, %mul3A_438 : vector<16xf32>
          %mul3A_440 = arith.mulf %get3A_434, %get3A_434 : vector<16xf32>
          %add3A_441 = arith.addf %add3A_439, %mul3A_440 : vector<16xf32>
          %iota3A_442 = tpu.iota {dimensions = array<i32: 0>} : vector<16xi32>
          %xor3A_443 = arith.constant 1 : i32
          %xor3A_444 = vector.broadcast %xor3A_443 : i32 to vector<16xi32>
          %xor3A_445 = arith.xori %iota3A_442, %xor3A_444 : vector<16xi32>
          %broadcast_in_dim3A_446 = vector.shape_cast %xor3A_445 : vector<16xi32> to vector<16x1xi32>
          %gather3A_447 = vector.shape_cast %broadcast_in_dim3A_446 : vector<16x1xi32> to vector<16xi32>
          %gather3A_448 = tpu.dynamic_gather %add3A_441[%gather3A_447] in [0] : vector<16xf32>, vector<16xi32> -> vector<16xf32>
          %add3A_449 = arith.addf %add3A_441, %gather3A_448 : vector<16xf32>
          %xor3A_450 = arith.constant 2 : i32
          %xor3A_451 = vector.broadcast %xor3A_450 : i32 to vector<16xi32>
          %xor3A_452 = arith.xori %iota3A_442, %xor3A_451 : vector<16xi32>
          %broadcast_in_dim3A_453 = vector.shape_cast %xor3A_452 : vector<16xi32> to vector<16x1xi32>
          %gather3A_454 = vector.shape_cast %broadcast_in_dim3A_453 : vector<16x1xi32> to vector<16xi32>
          %gather3A_455 = tpu.dynamic_gather %add3A_449[%gather3A_454] in [0] : vector<16xf32>, vector<16xi32> -> vector<16xf32>
          %add3A_456 = arith.addf %add3A_449, %gather3A_455 : vector<16xf32>
          %xor3A_457 = arith.constant 4 : i32
          %xor3A_458 = vector.broadcast %xor3A_457 : i32 to vector<16xi32>
          %xor3A_459 = arith.xori %iota3A_442, %xor3A_458 : vector<16xi32>
          %broadcast_in_dim3A_460 = vector.shape_cast %xor3A_459 : vector<16xi32> to vector<16x1xi32>
          %gather3A_461 = vector.shape_cast %broadcast_in_dim3A_460 : vector<16x1xi32> to vector<16xi32>
          %gather3A_462 = tpu.dynamic_gather %add3A_456[%gather3A_461] in [0] : vector<16xf32>, vector<16xi32> -> vector<16xf32>
          %add3A_463 = arith.addf %add3A_456, %gather3A_462 : vector<16xf32>
          %xor3A_464 = arith.constant 8 : i32
          %xor3A_465 = vector.broadcast %xor3A_464 : i32 to vector<16xi32>
          %xor3A_466 = arith.xori %iota3A_442, %xor3A_465 : vector<16xi32>
          %broadcast_in_dim3A_467 = vector.shape_cast %xor3A_466 : vector<16xi32> to vector<16x1xi32>
          %gather3A_468 = vector.shape_cast %broadcast_in_dim3A_467 : vector<16x1xi32> to vector<16xi32>
          %gather3A_469 = tpu.dynamic_gather %add3A_463[%gather3A_468] in [0] : vector<16xf32>, vector<16xi32> -> vector<16xf32>
          %add3A_470 = arith.addf %add3A_463, %gather3A_469 : vector<16xf32>
          %max3A_471 = arith.constant 1.000000e+00 : f32
          %max3A_472 = vector.broadcast %max3A_471 : f32 to vector<16xf32>
          %max3A_473 = arith.maximumf %add3A_470, %max3A_472 : vector<16xf32>
          %bitcast_convert_type3A_474 = tpu.bitcast %max3A_473 : vector<16xf32> -> vector<16xi32>
          %shift_right_arithmetic3A_475 = arith.constant 1 : i32
          %shift_right_arithmetic3A_476 = vector.broadcast %shift_right_arithmetic3A_475 : i32 to vector<16xi32>
          %shift_right_arithmetic3A_477 = arith.shrsi %bitcast_convert_type3A_474, %shift_right_arithmetic3A_476 : vector<16xi32>
          %sub3A_478 = arith.constant 1597463174 : i32
          %sub3A_479 = vector.broadcast %sub3A_478 : i32 to vector<16xi32>
          %sub3A_480 = arith.subi %sub3A_479, %shift_right_arithmetic3A_477 : vector<16xi32>
          %bitcast_convert_type3A_481 = tpu.bitcast %sub3A_480 : vector<16xi32> -> vector<16xf32>
          %mul3A_482 = arith.constant -5.000000e-01 : f32
          %mul3A_483 = vector.broadcast %mul3A_482 : f32 to vector<16xf32>
          %mul3A_484 = arith.mulf %mul3A_483, %max3A_473 : vector<16xf32>
          %mul3A_485 = arith.mulf %mul3A_484, %bitcast_convert_type3A_481 : vector<16xf32>
          %mul3A_486 = arith.mulf %mul3A_485, %bitcast_convert_type3A_481 : vector<16xf32>
          %add3A_487 = arith.constant 1.500000e+00 : f32
          %add3A_488 = vector.broadcast %add3A_487 : f32 to vector<16xf32>
          %add3A_489 = arith.addf %add3A_488, %mul3A_486 : vector<16xf32>
          %mul3A_490 = arith.mulf %bitcast_convert_type3A_481, %add3A_489 : vector<16xf32>
          %mul3A_491 = arith.constant 1.000000e+01 : f32
          %mul3A_492 = vector.broadcast %mul3A_491 : f32 to vector<16xf32>
          %mul3A_493 = arith.mulf %mul3A_492, %mul3A_490 : vector<16xf32>
          %min3A_494 = arith.constant 1.000000e+00 : f32
          %min3A_495 = vector.broadcast %min3A_494 : f32 to vector<16xf32>
          %min3A_496 = arith.minimumf %min3A_495, %mul3A_493 : vector<16xf32>
          %mul3A_497 = arith.mulf %get3A_407, %min3A_496 : vector<16xf32>
          %add3A_498 = arith.addf %add3A_390, %mul3A_497 : vector<16xf32>
          %mul3A_499 = arith.mulf %get3A_416, %min3A_496 : vector<16xf32>
          %add3A_500 = arith.addf %add3A_392, %mul3A_499 : vector<16xf32>
          %mul3A_501 = arith.mulf %get3A_425, %min3A_496 : vector<16xf32>
          %add3A_502 = arith.addf %add3A_394, %mul3A_501 : vector<16xf32>
          %mul3A_503 = arith.mulf %get3A_434, %min3A_496 : vector<16xf32>
          %add3A_504 = arith.addf %add3A_396, %mul3A_503 : vector<16xf32>
          %scan3A_505 = arith.constant 2 : i32
          %scan3A_506 = arith.addi %scan3A_289, %scan3A_505 : i32
          %add3A_507 = arith.addi %mul3A_252, %scan3A_506 : i32
          %get3A_508 = arith.constant 0 : i32
          %get3A_509 = arith.constant 0 : i32
          %get3A_510 = tpu.memref_slice %arg6[%scan3A_137, %get3A_508, %get3A_509] : memref<2x400x64xf32, #tpu.memory_space<vmem>> -> memref<1x400x64xf32, #tpu.memory_space<vmem>>
          %get3A_511 = tpu.memref_squeeze %get3A_510 : memref<1x400x64xf32, #tpu.memory_space<vmem>> -> memref<400x64xf32, #tpu.memory_space<vmem>>
          %get3A_512 = arith.index_cast %add3A_507 : i32 to index
          %get3A_513 = arith.constant 0 : index
          %get3A_514 = tpu.vector_load %get3A_511[%get3A_512, %get3A_513] {strides = array<i32>} : memref<400x64xf32, #tpu.memory_space<vmem>>, vector<1x16xf32>,
          %get3A_515 = vector.shape_cast %get3A_514 : vector<1x16xf32> to vector<16xf32>
          %add3A_516 = arith.addi %mul3A_252, %scan3A_506 : i32
          %get3A_517 = arith.constant 0 : i32
          %get3A_518 = arith.constant 0 : i32
          %get3A_519 = tpu.memref_slice %arg6[%scan3A_137, %get3A_517, %get3A_518] : memref<2x400x64xf32, #tpu.memory_space<vmem>> -> memref<1x400x64xf32, #tpu.memory_space<vmem>>
          %get3A_520 = tpu.memref_squeeze %get3A_519 : memref<1x400x64xf32, #tpu.memory_space<vmem>> -> memref<400x64xf32, #tpu.memory_space<vmem>>
          %get3A_521 = arith.index_cast %add3A_516 : i32 to index
          %get3A_522 = arith.constant 16 : index
          %get3A_523 = tpu.vector_load %get3A_520[%get3A_521, %get3A_522] {strides = array<i32>} : memref<400x64xf32, #tpu.memory_space<vmem>>, vector<1x16xf32>,
          %get3A_524 = vector.shape_cast %get3A_523 : vector<1x16xf32> to vector<16xf32>
          %add3A_525 = arith.addi %mul3A_252, %scan3A_506 : i32
          %get3A_526 = arith.constant 0 : i32
          %get3A_527 = arith.constant 0 : i32
          %get3A_528 = tpu.memref_slice %arg6[%scan3A_137, %get3A_526, %get3A_527] : memref<2x400x64xf32, #tpu.memory_space<vmem>> -> memref<1x400x64xf32, #tpu.memory_space<vmem>>
          %get3A_529 = tpu.memref_squeeze %get3A_528 : memref<1x400x64xf32, #tpu.memory_space<vmem>> -> memref<400x64xf32, #tpu.memory_space<vmem>>
          %get3A_530 = arith.index_cast %add3A_525 : i32 to index
          %get3A_531 = arith.constant 32 : index
          %get3A_532 = tpu.vector_load %get3A_529[%get3A_530, %get3A_531] {strides = array<i32>} : memref<400x64xf32, #tpu.memory_space<vmem>>, vector<1x16xf32>,
          %get3A_533 = vector.shape_cast %get3A_532 : vector<1x16xf32> to vector<16xf32>
          %add3A_534 = arith.addi %mul3A_252, %scan3A_506 : i32
          %get3A_535 = arith.constant 0 : i32
          %get3A_536 = arith.constant 0 : i32
          %get3A_537 = tpu.memref_slice %arg6[%scan3A_137, %get3A_535, %get3A_536] : memref<2x400x64xf32, #tpu.memory_space<vmem>> -> memref<1x400x64xf32, #tpu.memory_space<vmem>>
          %get3A_538 = tpu.memref_squeeze %get3A_537 : memref<1x400x64xf32, #tpu.memory_space<vmem>> -> memref<400x64xf32, #tpu.memory_space<vmem>>
          %get3A_539 = arith.index_cast %add3A_534 : i32 to index
          %get3A_540 = arith.constant 48 : index
          %get3A_541 = tpu.vector_load %get3A_538[%get3A_539, %get3A_540] {strides = array<i32>} : memref<400x64xf32, #tpu.memory_space<vmem>>, vector<1x16xf32>,
          %get3A_542 = vector.shape_cast %get3A_541 : vector<1x16xf32> to vector<16xf32>
          %mul3A_543 = arith.mulf %get3A_515, %get3A_515 : vector<16xf32>
          %mul3A_544 = arith.mulf %get3A_524, %get3A_524 : vector<16xf32>
          %add3A_545 = arith.addf %mul3A_543, %mul3A_544 : vector<16xf32>
          %mul3A_546 = arith.mulf %get3A_533, %get3A_533 : vector<16xf32>
          %add3A_547 = arith.addf %add3A_545, %mul3A_546 : vector<16xf32>
          %mul3A_548 = arith.mulf %get3A_542, %get3A_542 : vector<16xf32>
          %add3A_549 = arith.addf %add3A_547, %mul3A_548 : vector<16xf32>
          %iota3A_550 = tpu.iota {dimensions = array<i32: 0>} : vector<16xi32>
          %xor3A_551 = arith.constant 1 : i32
          %xor3A_552 = vector.broadcast %xor3A_551 : i32 to vector<16xi32>
          %xor3A_553 = arith.xori %iota3A_550, %xor3A_552 : vector<16xi32>
          %broadcast_in_dim3A_554 = vector.shape_cast %xor3A_553 : vector<16xi32> to vector<16x1xi32>
          %gather3A_555 = vector.shape_cast %broadcast_in_dim3A_554 : vector<16x1xi32> to vector<16xi32>
          %gather3A_556 = tpu.dynamic_gather %add3A_549[%gather3A_555] in [0] : vector<16xf32>, vector<16xi32> -> vector<16xf32>
          %add3A_557 = arith.addf %add3A_549, %gather3A_556 : vector<16xf32>
          %xor3A_558 = arith.constant 2 : i32
          %xor3A_559 = vector.broadcast %xor3A_558 : i32 to vector<16xi32>
          %xor3A_560 = arith.xori %iota3A_550, %xor3A_559 : vector<16xi32>
          %broadcast_in_dim3A_561 = vector.shape_cast %xor3A_560 : vector<16xi32> to vector<16x1xi32>
          %gather3A_562 = vector.shape_cast %broadcast_in_dim3A_561 : vector<16x1xi32> to vector<16xi32>
          %gather3A_563 = tpu.dynamic_gather %add3A_557[%gather3A_562] in [0] : vector<16xf32>, vector<16xi32> -> vector<16xf32>
          %add3A_564 = arith.addf %add3A_557, %gather3A_563 : vector<16xf32>
          %xor3A_565 = arith.constant 4 : i32
          %xor3A_566 = vector.broadcast %xor3A_565 : i32 to vector<16xi32>
          %xor3A_567 = arith.xori %iota3A_550, %xor3A_566 : vector<16xi32>
          %broadcast_in_dim3A_568 = vector.shape_cast %xor3A_567 : vector<16xi32> to vector<16x1xi32>
          %gather3A_569 = vector.shape_cast %broadcast_in_dim3A_568 : vector<16x1xi32> to vector<16xi32>
          %gather3A_570 = tpu.dynamic_gather %add3A_564[%gather3A_569] in [0] : vector<16xf32>, vector<16xi32> -> vector<16xf32>
          %add3A_571 = arith.addf %add3A_564, %gather3A_570 : vector<16xf32>
          %xor3A_572 = arith.constant 8 : i32
          %xor3A_573 = vector.broadcast %xor3A_572 : i32 to vector<16xi32>
          %xor3A_574 = arith.xori %iota3A_550, %xor3A_573 : vector<16xi32>
          %broadcast_in_dim3A_575 = vector.shape_cast %xor3A_574 : vector<16xi32> to vector<16x1xi32>
          %gather3A_576 = vector.shape_cast %broadcast_in_dim3A_575 : vector<16x1xi32> to vector<16xi32>
          %gather3A_577 = tpu.dynamic_gather %add3A_571[%gather3A_576] in [0] : vector<16xf32>, vector<16xi32> -> vector<16xf32>
          %add3A_578 = arith.addf %add3A_571, %gather3A_577 : vector<16xf32>
          %max3A_579 = arith.constant 1.000000e+00 : f32
          %max3A_580 = vector.broadcast %max3A_579 : f32 to vector<16xf32>
          %max3A_581 = arith.maximumf %add3A_578, %max3A_580 : vector<16xf32>
          %bitcast_convert_type3A_582 = tpu.bitcast %max3A_581 : vector<16xf32> -> vector<16xi32>
          %shift_right_arithmetic3A_583 = arith.constant 1 : i32
          %shift_right_arithmetic3A_584 = vector.broadcast %shift_right_arithmetic3A_583 : i32 to vector<16xi32>
          %shift_right_arithmetic3A_585 = arith.shrsi %bitcast_convert_type3A_582, %shift_right_arithmetic3A_584 : vector<16xi32>
          %sub3A_586 = arith.constant 1597463174 : i32
          %sub3A_587 = vector.broadcast %sub3A_586 : i32 to vector<16xi32>
          %sub3A_588 = arith.subi %sub3A_587, %shift_right_arithmetic3A_585 : vector<16xi32>
          %bitcast_convert_type3A_589 = tpu.bitcast %sub3A_588 : vector<16xi32> -> vector<16xf32>
          %mul3A_590 = arith.constant -5.000000e-01 : f32
          %mul3A_591 = vector.broadcast %mul3A_590 : f32 to vector<16xf32>
          %mul3A_592 = arith.mulf %mul3A_591, %max3A_581 : vector<16xf32>
          %mul3A_593 = arith.mulf %mul3A_592, %bitcast_convert_type3A_589 : vector<16xf32>
          %mul3A_594 = arith.mulf %mul3A_593, %bitcast_convert_type3A_589 : vector<16xf32>
          %add3A_595 = arith.constant 1.500000e+00 : f32
          %add3A_596 = vector.broadcast %add3A_595 : f32 to vector<16xf32>
          %add3A_597 = arith.addf %add3A_596, %mul3A_594 : vector<16xf32>
          %mul3A_598 = arith.mulf %bitcast_convert_type3A_589, %add3A_597 : vector<16xf32>
          %mul3A_599 = arith.constant 1.000000e+01 : f32
          %mul3A_600 = vector.broadcast %mul3A_599 : f32 to vector<16xf32>
          %mul3A_601 = arith.mulf %mul3A_600, %mul3A_598 : vector<16xf32>
          %min3A_602 = arith.constant 1.000000e+00 : f32
          %min3A_603 = vector.broadcast %min3A_602 : f32 to vector<16xf32>
          %min3A_604 = arith.minimumf %min3A_603, %mul3A_601 : vector<16xf32>
          %mul3A_605 = arith.mulf %get3A_515, %min3A_604 : vector<16xf32>
          %add3A_606 = arith.addf %add3A_498, %mul3A_605 : vector<16xf32>
          %mul3A_607 = arith.mulf %get3A_524, %min3A_604 : vector<16xf32>
          %add3A_608 = arith.addf %add3A_500, %mul3A_607 : vector<16xf32>
          %mul3A_609 = arith.mulf %get3A_533, %min3A_604 : vector<16xf32>
          %add3A_610 = arith.addf %add3A_502, %mul3A_609 : vector<16xf32>
          %mul3A_611 = arith.mulf %get3A_542, %min3A_604 : vector<16xf32>
          %add3A_612 = arith.addf %add3A_504, %mul3A_611 : vector<16xf32>
          %scan3A_613 = arith.constant 3 : i32
          %scan3A_614 = arith.addi %scan3A_289, %scan3A_613 : i32
          %add3A_615 = arith.addi %mul3A_252, %scan3A_614 : i32
          %get3A_616 = arith.constant 0 : i32
          %get3A_617 = arith.constant 0 : i32
          %get3A_618 = tpu.memref_slice %arg6[%scan3A_137, %get3A_616, %get3A_617] : memref<2x400x64xf32, #tpu.memory_space<vmem>> -> memref<1x400x64xf32, #tpu.memory_space<vmem>>
          %get3A_619 = tpu.memref_squeeze %get3A_618 : memref<1x400x64xf32, #tpu.memory_space<vmem>> -> memref<400x64xf32, #tpu.memory_space<vmem>>
          %get3A_620 = arith.index_cast %add3A_615 : i32 to index
          %get3A_621 = arith.constant 0 : index
          %get3A_622 = tpu.vector_load %get3A_619[%get3A_620, %get3A_621] {strides = array<i32>} : memref<400x64xf32, #tpu.memory_space<vmem>>, vector<1x16xf32>,
          %get3A_623 = vector.shape_cast %get3A_622 : vector<1x16xf32> to vector<16xf32>
          %add3A_624 = arith.addi %mul3A_252, %scan3A_614 : i32
          %get3A_625 = arith.constant 0 : i32
          %get3A_626 = arith.constant 0 : i32
          %get3A_627 = tpu.memref_slice %arg6[%scan3A_137, %get3A_625, %get3A_626] : memref<2x400x64xf32, #tpu.memory_space<vmem>> -> memref<1x400x64xf32, #tpu.memory_space<vmem>>
          %get3A_628 = tpu.memref_squeeze %get3A_627 : memref<1x400x64xf32, #tpu.memory_space<vmem>> -> memref<400x64xf32, #tpu.memory_space<vmem>>
          %get3A_629 = arith.index_cast %add3A_624 : i32 to index
          %get3A_630 = arith.constant 16 : index
          %get3A_631 = tpu.vector_load %get3A_628[%get3A_629, %get3A_630] {strides = array<i32>} : memref<400x64xf32, #tpu.memory_space<vmem>>, vector<1x16xf32>,
          %get3A_632 = vector.shape_cast %get3A_631 : vector<1x16xf32> to vector<16xf32>
          %add3A_633 = arith.addi %mul3A_252, %scan3A_614 : i32
          %get3A_634 = arith.constant 0 : i32
          %get3A_635 = arith.constant 0 : i32
          %get3A_636 = tpu.memref_slice %arg6[%scan3A_137, %get3A_634, %get3A_635] : memref<2x400x64xf32, #tpu.memory_space<vmem>> -> memref<1x400x64xf32, #tpu.memory_space<vmem>>
          %get3A_637 = tpu.memref_squeeze %get3A_636 : memref<1x400x64xf32, #tpu.memory_space<vmem>> -> memref<400x64xf32, #tpu.memory_space<vmem>>
          %get3A_638 = arith.index_cast %add3A_633 : i32 to index
          %get3A_639 = arith.constant 32 : index
          %get3A_640 = tpu.vector_load %get3A_637[%get3A_638, %get3A_639] {strides = array<i32>} : memref<400x64xf32, #tpu.memory_space<vmem>>, vector<1x16xf32>,
          %get3A_641 = vector.shape_cast %get3A_640 : vector<1x16xf32> to vector<16xf32>
          %add3A_642 = arith.addi %mul3A_252, %scan3A_614 : i32
          %get3A_643 = arith.constant 0 : i32
          %get3A_644 = arith.constant 0 : i32
          %get3A_645 = tpu.memref_slice %arg6[%scan3A_137, %get3A_643, %get3A_644] : memref<2x400x64xf32, #tpu.memory_space<vmem>> -> memref<1x400x64xf32, #tpu.memory_space<vmem>>
          %get3A_646 = tpu.memref_squeeze %get3A_645 : memref<1x400x64xf32, #tpu.memory_space<vmem>> -> memref<400x64xf32, #tpu.memory_space<vmem>>
          %get3A_647 = arith.index_cast %add3A_642 : i32 to index
          %get3A_648 = arith.constant 48 : index
          %get3A_649 = tpu.vector_load %get3A_646[%get3A_647, %get3A_648] {strides = array<i32>} : memref<400x64xf32, #tpu.memory_space<vmem>>, vector<1x16xf32>,
          %get3A_650 = vector.shape_cast %get3A_649 : vector<1x16xf32> to vector<16xf32>
          %mul3A_651 = arith.mulf %get3A_623, %get3A_623 : vector<16xf32>
          %mul3A_652 = arith.mulf %get3A_632, %get3A_632 : vector<16xf32>
          %add3A_653 = arith.addf %mul3A_651, %mul3A_652 : vector<16xf32>
          %mul3A_654 = arith.mulf %get3A_641, %get3A_641 : vector<16xf32>
          %add3A_655 = arith.addf %add3A_653, %mul3A_654 : vector<16xf32>
          %mul3A_656 = arith.mulf %get3A_650, %get3A_650 : vector<16xf32>
          %add3A_657 = arith.addf %add3A_655, %mul3A_656 : vector<16xf32>
          %iota3A_658 = tpu.iota {dimensions = array<i32: 0>} : vector<16xi32>
          %xor3A_659 = arith.constant 1 : i32
          %xor3A_660 = vector.broadcast %xor3A_659 : i32 to vector<16xi32>
          %xor3A_661 = arith.xori %iota3A_658, %xor3A_660 : vector<16xi32>
          %broadcast_in_dim3A_662 = vector.shape_cast %xor3A_661 : vector<16xi32> to vector<16x1xi32>
          %gather3A_663 = vector.shape_cast %broadcast_in_dim3A_662 : vector<16x1xi32> to vector<16xi32>
          %gather3A_664 = tpu.dynamic_gather %add3A_657[%gather3A_663] in [0] : vector<16xf32>, vector<16xi32> -> vector<16xf32>
          %add3A_665 = arith.addf %add3A_657, %gather3A_664 : vector<16xf32>
          %xor3A_666 = arith.constant 2 : i32
          %xor3A_667 = vector.broadcast %xor3A_666 : i32 to vector<16xi32>
          %xor3A_668 = arith.xori %iota3A_658, %xor3A_667 : vector<16xi32>
          %broadcast_in_dim3A_669 = vector.shape_cast %xor3A_668 : vector<16xi32> to vector<16x1xi32>
          %gather3A_670 = vector.shape_cast %broadcast_in_dim3A_669 : vector<16x1xi32> to vector<16xi32>
          %gather3A_671 = tpu.dynamic_gather %add3A_665[%gather3A_670] in [0] : vector<16xf32>, vector<16xi32> -> vector<16xf32>
          %add3A_672 = arith.addf %add3A_665, %gather3A_671 : vector<16xf32>
          %xor3A_673 = arith.constant 4 : i32
          %xor3A_674 = vector.broadcast %xor3A_673 : i32 to vector<16xi32>
          %xor3A_675 = arith.xori %iota3A_658, %xor3A_674 : vector<16xi32>
          %broadcast_in_dim3A_676 = vector.shape_cast %xor3A_675 : vector<16xi32> to vector<16x1xi32>
          %gather3A_677 = vector.shape_cast %broadcast_in_dim3A_676 : vector<16x1xi32> to vector<16xi32>
          %gather3A_678 = tpu.dynamic_gather %add3A_672[%gather3A_677] in [0] : vector<16xf32>, vector<16xi32> -> vector<16xf32>
          %add3A_679 = arith.addf %add3A_672, %gather3A_678 : vector<16xf32>
          %xor3A_680 = arith.constant 8 : i32
          %xor3A_681 = vector.broadcast %xor3A_680 : i32 to vector<16xi32>
          %xor3A_682 = arith.xori %iota3A_658, %xor3A_681 : vector<16xi32>
          %broadcast_in_dim3A_683 = vector.shape_cast %xor3A_682 : vector<16xi32> to vector<16x1xi32>
          %gather3A_684 = vector.shape_cast %broadcast_in_dim3A_683 : vector<16x1xi32> to vector<16xi32>
          %gather3A_685 = tpu.dynamic_gather %add3A_679[%gather3A_684] in [0] : vector<16xf32>, vector<16xi32> -> vector<16xf32>
          %add3A_686 = arith.addf %add3A_679, %gather3A_685 : vector<16xf32>
          %max3A_687 = arith.constant 1.000000e+00 : f32
          %max3A_688 = vector.broadcast %max3A_687 : f32 to vector<16xf32>
          %max3A_689 = arith.maximumf %add3A_686, %max3A_688 : vector<16xf32>
          %bitcast_convert_type3A_690 = tpu.bitcast %max3A_689 : vector<16xf32> -> vector<16xi32>
          %shift_right_arithmetic3A_691 = arith.constant 1 : i32
          %shift_right_arithmetic3A_692 = vector.broadcast %shift_right_arithmetic3A_691 : i32 to vector<16xi32>
          %shift_right_arithmetic3A_693 = arith.shrsi %bitcast_convert_type3A_690, %shift_right_arithmetic3A_692 : vector<16xi32>
          %sub3A_694 = arith.constant 1597463174 : i32
          %sub3A_695 = vector.broadcast %sub3A_694 : i32 to vector<16xi32>
          %sub3A_696 = arith.subi %sub3A_695, %shift_right_arithmetic3A_693 : vector<16xi32>
          %bitcast_convert_type3A_697 = tpu.bitcast %sub3A_696 : vector<16xi32> -> vector<16xf32>
          %mul3A_698 = arith.constant -5.000000e-01 : f32
          %mul3A_699 = vector.broadcast %mul3A_698 : f32 to vector<16xf32>
          %mul3A_700 = arith.mulf %mul3A_699, %max3A_689 : vector<16xf32>
          %mul3A_701 = arith.mulf %mul3A_700, %bitcast_convert_type3A_697 : vector<16xf32>
          %mul3A_702 = arith.mulf %mul3A_701, %bitcast_convert_type3A_697 : vector<16xf32>
          %add3A_703 = arith.constant 1.500000e+00 : f32
          %add3A_704 = vector.broadcast %add3A_703 : f32 to vector<16xf32>
          %add3A_705 = arith.addf %add3A_704, %mul3A_702 : vector<16xf32>
          %mul3A_706 = arith.mulf %bitcast_convert_type3A_697, %add3A_705 : vector<16xf32>
          %mul3A_707 = arith.constant 1.000000e+01 : f32
          %mul3A_708 = vector.broadcast %mul3A_707 : f32 to vector<16xf32>
          %mul3A_709 = arith.mulf %mul3A_708, %mul3A_706 : vector<16xf32>
          %min3A_710 = arith.constant 1.000000e+00 : f32
          %min3A_711 = vector.broadcast %min3A_710 : f32 to vector<16xf32>
          %min3A_712 = arith.minimumf %min3A_711, %mul3A_709 : vector<16xf32>
          %mul3A_713 = arith.mulf %get3A_623, %min3A_712 : vector<16xf32>
          %add3A_714 = arith.addf %add3A_606, %mul3A_713 : vector<16xf32>
          %mul3A_715 = arith.mulf %get3A_632, %min3A_712 : vector<16xf32>
          %add3A_716 = arith.addf %add3A_608, %mul3A_715 : vector<16xf32>
          %mul3A_717 = arith.mulf %get3A_641, %min3A_712 : vector<16xf32>
          %add3A_718 = arith.addf %add3A_610, %mul3A_717 : vector<16xf32>
          %mul3A_719 = arith.mulf %get3A_650, %min3A_712 : vector<16xf32>
          %add3A_720 = arith.addf %add3A_612, %mul3A_719 : vector<16xf32>
          %scan3A_721 = arith.constant 4 : i32
          %scan3A_722 = arith.addi %scan3A_289, %scan3A_721 : i32
          %add3A_723 = arith.addi %mul3A_252, %scan3A_722 : i32
          %get3A_724 = arith.constant 0 : i32
          %get3A_725 = arith.constant 0 : i32
          %get3A_726 = tpu.memref_slice %arg6[%scan3A_137, %get3A_724, %get3A_725] : memref<2x400x64xf32, #tpu.memory_space<vmem>> -> memref<1x400x64xf32, #tpu.memory_space<vmem>>
          %get3A_727 = tpu.memref_squeeze %get3A_726 : memref<1x400x64xf32, #tpu.memory_space<vmem>> -> memref<400x64xf32, #tpu.memory_space<vmem>>
          %get3A_728 = arith.index_cast %add3A_723 : i32 to index
          %get3A_729 = arith.constant 0 : index
          %get3A_730 = tpu.vector_load %get3A_727[%get3A_728, %get3A_729] {strides = array<i32>} : memref<400x64xf32, #tpu.memory_space<vmem>>, vector<1x16xf32>,
          %get3A_731 = vector.shape_cast %get3A_730 : vector<1x16xf32> to vector<16xf32>
          %add3A_732 = arith.addi %mul3A_252, %scan3A_722 : i32
          %get3A_733 = arith.constant 0 : i32
          %get3A_734 = arith.constant 0 : i32
          %get3A_735 = tpu.memref_slice %arg6[%scan3A_137, %get3A_733, %get3A_734] : memref<2x400x64xf32, #tpu.memory_space<vmem>> -> memref<1x400x64xf32, #tpu.memory_space<vmem>>
          %get3A_736 = tpu.memref_squeeze %get3A_735 : memref<1x400x64xf32, #tpu.memory_space<vmem>> -> memref<400x64xf32, #tpu.memory_space<vmem>>
          %get3A_737 = arith.index_cast %add3A_732 : i32 to index
          %get3A_738 = arith.constant 16 : index
          %get3A_739 = tpu.vector_load %get3A_736[%get3A_737, %get3A_738] {strides = array<i32>} : memref<400x64xf32, #tpu.memory_space<vmem>>, vector<1x16xf32>,
          %get3A_740 = vector.shape_cast %get3A_739 : vector<1x16xf32> to vector<16xf32>
          %add3A_741 = arith.addi %mul3A_252, %scan3A_722 : i32
          %get3A_742 = arith.constant 0 : i32
          %get3A_743 = arith.constant 0 : i32
          %get3A_744 = tpu.memref_slice %arg6[%scan3A_137, %get3A_742, %get3A_743] : memref<2x400x64xf32, #tpu.memory_space<vmem>> -> memref<1x400x64xf32, #tpu.memory_space<vmem>>
          %get3A_745 = tpu.memref_squeeze %get3A_744 : memref<1x400x64xf32, #tpu.memory_space<vmem>> -> memref<400x64xf32, #tpu.memory_space<vmem>>
          %get3A_746 = arith.index_cast %add3A_741 : i32 to index
          %get3A_747 = arith.constant 32 : index
          %get3A_748 = tpu.vector_load %get3A_745[%get3A_746, %get3A_747] {strides = array<i32>} : memref<400x64xf32, #tpu.memory_space<vmem>>, vector<1x16xf32>,
          %get3A_749 = vector.shape_cast %get3A_748 : vector<1x16xf32> to vector<16xf32>
          %add3A_750 = arith.addi %mul3A_252, %scan3A_722 : i32
          %get3A_751 = arith.constant 0 : i32
          %get3A_752 = arith.constant 0 : i32
          %get3A_753 = tpu.memref_slice %arg6[%scan3A_137, %get3A_751, %get3A_752] : memref<2x400x64xf32, #tpu.memory_space<vmem>> -> memref<1x400x64xf32, #tpu.memory_space<vmem>>
          %get3A_754 = tpu.memref_squeeze %get3A_753 : memref<1x400x64xf32, #tpu.memory_space<vmem>> -> memref<400x64xf32, #tpu.memory_space<vmem>>
          %get3A_755 = arith.index_cast %add3A_750 : i32 to index
          %get3A_756 = arith.constant 48 : index
          %get3A_757 = tpu.vector_load %get3A_754[%get3A_755, %get3A_756] {strides = array<i32>} : memref<400x64xf32, #tpu.memory_space<vmem>>, vector<1x16xf32>,
          %get3A_758 = vector.shape_cast %get3A_757 : vector<1x16xf32> to vector<16xf32>
          %mul3A_759 = arith.mulf %get3A_731, %get3A_731 : vector<16xf32>
          %mul3A_760 = arith.mulf %get3A_740, %get3A_740 : vector<16xf32>
          %add3A_761 = arith.addf %mul3A_759, %mul3A_760 : vector<16xf32>
          %mul3A_762 = arith.mulf %get3A_749, %get3A_749 : vector<16xf32>
          %add3A_763 = arith.addf %add3A_761, %mul3A_762 : vector<16xf32>
          %mul3A_764 = arith.mulf %get3A_758, %get3A_758 : vector<16xf32>
          %add3A_765 = arith.addf %add3A_763, %mul3A_764 : vector<16xf32>
          %iota3A_766 = tpu.iota {dimensions = array<i32: 0>} : vector<16xi32>
          %xor3A_767 = arith.constant 1 : i32
          %xor3A_768 = vector.broadcast %xor3A_767 : i32 to vector<16xi32>
          %xor3A_769 = arith.xori %iota3A_766, %xor3A_768 : vector<16xi32>
          %broadcast_in_dim3A_770 = vector.shape_cast %xor3A_769 : vector<16xi32> to vector<16x1xi32>
          %gather3A_771 = vector.shape_cast %broadcast_in_dim3A_770 : vector<16x1xi32> to vector<16xi32>
          %gather3A_772 = tpu.dynamic_gather %add3A_765[%gather3A_771] in [0] : vector<16xf32>, vector<16xi32> -> vector<16xf32>
          %add3A_773 = arith.addf %add3A_765, %gather3A_772 : vector<16xf32>
          %xor3A_774 = arith.constant 2 : i32
          %xor3A_775 = vector.broadcast %xor3A_774 : i32 to vector<16xi32>
          %xor3A_776 = arith.xori %iota3A_766, %xor3A_775 : vector<16xi32>
          %broadcast_in_dim3A_777 = vector.shape_cast %xor3A_776 : vector<16xi32> to vector<16x1xi32>
          %gather3A_778 = vector.shape_cast %broadcast_in_dim3A_777 : vector<16x1xi32> to vector<16xi32>
          %gather3A_779 = tpu.dynamic_gather %add3A_773[%gather3A_778] in [0] : vector<16xf32>, vector<16xi32> -> vector<16xf32>
          %add3A_780 = arith.addf %add3A_773, %gather3A_779 : vector<16xf32>
          %xor3A_781 = arith.constant 4 : i32
          %xor3A_782 = vector.broadcast %xor3A_781 : i32 to vector<16xi32>
          %xor3A_783 = arith.xori %iota3A_766, %xor3A_782 : vector<16xi32>
          %broadcast_in_dim3A_784 = vector.shape_cast %xor3A_783 : vector<16xi32> to vector<16x1xi32>
          %gather3A_785 = vector.shape_cast %broadcast_in_dim3A_784 : vector<16x1xi32> to vector<16xi32>
          %gather3A_786 = tpu.dynamic_gather %add3A_780[%gather3A_785] in [0] : vector<16xf32>, vector<16xi32> -> vector<16xf32>
          %add3A_787 = arith.addf %add3A_780, %gather3A_786 : vector<16xf32>
          %xor3A_788 = arith.constant 8 : i32
          %xor3A_789 = vector.broadcast %xor3A_788 : i32 to vector<16xi32>
          %xor3A_790 = arith.xori %iota3A_766, %xor3A_789 : vector<16xi32>
          %broadcast_in_dim3A_791 = vector.shape_cast %xor3A_790 : vector<16xi32> to vector<16x1xi32>
          %gather3A_792 = vector.shape_cast %broadcast_in_dim3A_791 : vector<16x1xi32> to vector<16xi32>
          %gather3A_793 = tpu.dynamic_gather %add3A_787[%gather3A_792] in [0] : vector<16xf32>, vector<16xi32> -> vector<16xf32>
          %add3A_794 = arith.addf %add3A_787, %gather3A_793 : vector<16xf32>
          %max3A_795 = arith.constant 1.000000e+00 : f32
          %max3A_796 = vector.broadcast %max3A_795 : f32 to vector<16xf32>
          %max3A_797 = arith.maximumf %add3A_794, %max3A_796 : vector<16xf32>
          %bitcast_convert_type3A_798 = tpu.bitcast %max3A_797 : vector<16xf32> -> vector<16xi32>
          %shift_right_arithmetic3A_799 = arith.constant 1 : i32
          %shift_right_arithmetic3A_800 = vector.broadcast %shift_right_arithmetic3A_799 : i32 to vector<16xi32>
          %shift_right_arithmetic3A_801 = arith.shrsi %bitcast_convert_type3A_798, %shift_right_arithmetic3A_800 : vector<16xi32>
          %sub3A_802 = arith.constant 1597463174 : i32
          %sub3A_803 = vector.broadcast %sub3A_802 : i32 to vector<16xi32>
          %sub3A_804 = arith.subi %sub3A_803, %shift_right_arithmetic3A_801 : vector<16xi32>
          %bitcast_convert_type3A_805 = tpu.bitcast %sub3A_804 : vector<16xi32> -> vector<16xf32>
          %mul3A_806 = arith.constant -5.000000e-01 : f32
          %mul3A_807 = vector.broadcast %mul3A_806 : f32 to vector<16xf32>
          %mul3A_808 = arith.mulf %mul3A_807, %max3A_797 : vector<16xf32>
          %mul3A_809 = arith.mulf %mul3A_808, %bitcast_convert_type3A_805 : vector<16xf32>
          %mul3A_810 = arith.mulf %mul3A_809, %bitcast_convert_type3A_805 : vector<16xf32>
          %add3A_811 = arith.constant 1.500000e+00 : f32
          %add3A_812 = vector.broadcast %add3A_811 : f32 to vector<16xf32>
          %add3A_813 = arith.addf %add3A_812, %mul3A_810 : vector<16xf32>
          %mul3A_814 = arith.mulf %bitcast_convert_type3A_805, %add3A_813 : vector<16xf32>
          %mul3A_815 = arith.constant 1.000000e+01 : f32
          %mul3A_816 = vector.broadcast %mul3A_815 : f32 to vector<16xf32>
          %mul3A_817 = arith.mulf %mul3A_816, %mul3A_814 : vector<16xf32>
          %min3A_818 = arith.constant 1.000000e+00 : f32
          %min3A_819 = vector.broadcast %min3A_818 : f32 to vector<16xf32>
          %min3A_820 = arith.minimumf %min3A_819, %mul3A_817 : vector<16xf32>
          %mul3A_821 = arith.mulf %get3A_731, %min3A_820 : vector<16xf32>
          %add3A_822 = arith.addf %add3A_714, %mul3A_821 : vector<16xf32>
          %mul3A_823 = arith.mulf %get3A_740, %min3A_820 : vector<16xf32>
          %add3A_824 = arith.addf %add3A_716, %mul3A_823 : vector<16xf32>
          %mul3A_825 = arith.mulf %get3A_749, %min3A_820 : vector<16xf32>
          %add3A_826 = arith.addf %add3A_718, %mul3A_825 : vector<16xf32>
          %mul3A_827 = arith.mulf %get3A_758, %min3A_820 : vector<16xf32>
          %add3A_828 = arith.addf %add3A_720, %mul3A_827 : vector<16xf32>
          scf.yield %add3A_822, %add3A_824, %add3A_826, %add3A_828 : vector<16xf32>, vector<16xf32>, vector<16xf32>, vector<16xf32>
        }
        %scan3A_260 = arith.constant 50 : i32
        %max3A = arith.constant 9.99999968E-21 : f32
        %max3A_261 = vector.broadcast %max3A : f32 to vector<16xf32>
        %max3A_262 = arith.maximumf %add3A_250, %max3A_261 : vector<16xf32>
        %div3A_263 = arith.constant 1.000000e+00 : f32
        %div3A_264 = vector.broadcast %div3A_263 : f32 to vector<16xf32>
        %div3A_265 = arith.divf %div3A_264, %max3A_262 : vector<16xf32>
        %mul3A_266 = arith.mulf %scan3A_259#0, %div3A_265 : vector<16xf32>
        %swap3A = arith.index_cast %add3A_172 : i32 to index
        %swap3A_267 = arith.constant 0 : index
        %swap3A_268 = tpu.vector_load %arg7[%swap3A, %swap3A_267] {strides = array<i32>} : memref<256x64xf32, #tpu.memory_space<vmem>>, vector<1x16xf32>,
        %swap3A_269 = vector.shape_cast %swap3A_268 : vector<1x16xf32> to vector<16xf32>
        %swap3A_270 = vector.shape_cast %mul3A_266 : vector<16xf32> to vector<1x16xf32>
        tpu.vector_store %arg7[%swap3A, %swap3A_267], %swap3A_270 {strides = array<i32>} : memref<256x64xf32, #tpu.memory_space<vmem>>, vector<1x16xf32>,
        %mul3A_271 = arith.mulf %scan3A_259#1, %div3A_265 : vector<16xf32>
        %swap3A_272 = arith.index_cast %add3A_172 : i32 to index
        %swap3A_273 = arith.constant 16 : index
        %swap3A_274 = tpu.vector_load %arg7[%swap3A_272, %swap3A_273] {strides = array<i32>} : memref<256x64xf32, #tpu.memory_space<vmem>>, vector<1x16xf32>,
        %swap3A_275 = vector.shape_cast %swap3A_274 : vector<1x16xf32> to vector<16xf32>
        %swap3A_276 = vector.shape_cast %mul3A_271 : vector<16xf32> to vector<1x16xf32>
        tpu.vector_store %arg7[%swap3A_272, %swap3A_273], %swap3A_276 {strides = array<i32>} : memref<256x64xf32, #tpu.memory_space<vmem>>, vector<1x16xf32>,
        %mul3A_277 = arith.mulf %scan3A_259#2, %div3A_265 : vector<16xf32>
        %swap3A_278 = arith.index_cast %add3A_172 : i32 to index
        %swap3A_279 = arith.constant 32 : index
        %swap3A_280 = tpu.vector_load %arg7[%swap3A_278, %swap3A_279] {strides = array<i32>} : memref<256x64xf32, #tpu.memory_space<vmem>>, vector<1x16xf32>,
        %swap3A_281 = vector.shape_cast %swap3A_280 : vector<1x16xf32> to vector<16xf32>
        %swap3A_282 = vector.shape_cast %mul3A_277 : vector<16xf32> to vector<1x16xf32>
        tpu.vector_store %arg7[%swap3A_278, %swap3A_279], %swap3A_282 {strides = array<i32>} : memref<256x64xf32, #tpu.memory_space<vmem>>, vector<1x16xf32>,
        %mul3A_283 = arith.mulf %scan3A_259#3, %div3A_265 : vector<16xf32>
        %swap3A_284 = arith.index_cast %add3A_172 : i32 to index
        %swap3A_285 = arith.constant 48 : index
        %swap3A_286 = tpu.vector_load %arg7[%swap3A_284, %swap3A_285] {strides = array<i32>} : memref<256x64xf32, #tpu.memory_space<vmem>>, vector<1x16xf32>,
        %swap3A_287 = vector.shape_cast %swap3A_286 : vector<1x16xf32> to vector<16xf32>
        %swap3A_288 = vector.shape_cast %mul3A_283 : vector<16xf32> to vector<1x16xf32>
        tpu.vector_store %arg7[%swap3A_284, %swap3A_285], %swap3A_288 {strides = array<i32>} : memref<256x64xf32, #tpu.memory_space<vmem>>, vector<1x16xf32>,
      }
      %scan3A_142 = arith.constant 8 : i32
      %lt3A = arith.constant 15 : i32
      %lt3A_143 = arith.cmpi slt, %scan3A_57, %lt3A : i32
      %convert_element_type3A = arith.extui %lt3A_143 : i1 to i32
      %cond3A = arith.constant 0 : i32
      %cond3A_144 = arith.cmpi ne, %convert_element_type3A, %cond3A : i32
      scf.if %cond3A_144 {
        %add3A_169 = arith.constant 2 : i32
        %add3A_170 = arith.addi %mul3A_59, %add3A_169 : i32
        %mul3A_171 = arith.constant 4 : i32
        %mul3A_172 = arith.muli %add3A_170, %mul3A_171 : i32
        %add3A_173 = arith.constant 0 : i32
        %add3A_174 = arith.addi %mul3A_172, %add3A_173 : i32
        %dma_start3A_175 = arith.constant 0 : i32
        %dma_start3A_176 = arith.constant 0 : i32
        %dma_start3A_177 = arith.constant 0 : i32
        %dma_start3A_178 = tpu.memref_slice %arg6[%dma_start3A_175, %dma_start3A_176, %dma_start3A_177] : memref<2x400x64xf32, #tpu.memory_space<vmem>> -> memref<1x100x64xf32, #tpu.memory_space<vmem>>
        %dma_start3A_179 = tpu.memref_squeeze %dma_start3A_178 : memref<1x100x64xf32, #tpu.memory_space<vmem>> -> memref<100x64xf32, #tpu.memory_space<vmem>>
        %dma_start3A_180 = arith.constant 0 : i32
        %dma_start3A_181 = tpu.memref_slice %arg5[%add3A_174, %dma_start3A_180] : memref<128x100xi32, #tpu.memory_space<vmem>> -> memref<1x100xi32, #tpu.memory_space<vmem>>
        %dma_start3A_182 = tpu.memref_squeeze %dma_start3A_181 : memref<1x100xi32, #tpu.memory_space<vmem>> -> memref<100xi32, #tpu.memory_space<vmem>>
        %dma_start3A_183 = arith.constant 0 : i32
        %dma_start3A_184 = arith.constant 0 : i32
        %dma_start3A_185 = tpu.memref_slice %arg2[%dma_start3A_183, %dma_start3A_184] : memref<1000000x64xf32, #tpu.memory_space<hbm>> -> memref<1000000x64xf32, #tpu.memory_space<hbm>>
        tpu.enqueue_indirect_dma source(%dma_start3A_185 : memref<1000000x64xf32, #tpu.memory_space<hbm>>) target(%dma_start3A_179 : memref<100x64xf32, #tpu.memory_space<vmem>>) offsets(%dma_start3A_182 : memref<100xi32, #tpu.memory_space<vmem>>) semaphore(%arg8 : memref<!tpu.dma_semaphore, #tpu.memory_space<semaphore_mem>>)
        %mul3A_186 = arith.constant 4 : i32
        %mul3A_187 = arith.muli %add3A_170, %mul3A_186 : i32
        %add3A_188 = arith.constant 1 : i32
        %add3A_189 = arith.addi %mul3A_187, %add3A_188 : i32
        %dma_start3A_190 = arith.constant 0 : i32
        %dma_start3A_191 = arith.constant 100 : i32
        %dma_start3A_192 = arith.constant 0 : i32
        %dma_start3A_193 = tpu.memref_slice %arg6[%dma_start3A_190, %dma_start3A_191, %dma_start3A_192] : memref<2x400x64xf32, #tpu.memory_space<vmem>> -> memref<1x100x64xf32, #tpu.memory_space<vmem>>
        %dma_start3A_194 = tpu.memref_squeeze %dma_start3A_193 : memref<1x100x64xf32, #tpu.memory_space<vmem>> -> memref<100x64xf32, #tpu.memory_space<vmem>>
        %dma_start3A_195 = arith.constant 0 : i32
        %dma_start3A_196 = tpu.memref_slice %arg5[%add3A_189, %dma_start3A_195] : memref<128x100xi32, #tpu.memory_space<vmem>> -> memref<1x100xi32, #tpu.memory_space<vmem>>
        %dma_start3A_197 = tpu.memref_squeeze %dma_start3A_196 : memref<1x100xi32, #tpu.memory_space<vmem>> -> memref<100xi32, #tpu.memory_space<vmem>>
        %dma_start3A_198 = arith.constant 0 : i32
        %dma_start3A_199 = arith.constant 0 : i32
        %dma_start3A_200 = tpu.memref_slice %arg2[%dma_start3A_198, %dma_start3A_199] : memref<1000000x64xf32, #tpu.memory_space<hbm>> -> memref<1000000x64xf32, #tpu.memory_space<hbm>>
        tpu.enqueue_indirect_dma source(%dma_start3A_200 : memref<1000000x64xf32, #tpu.memory_space<hbm>>) target(%dma_start3A_194 : memref<100x64xf32, #tpu.memory_space<vmem>>) offsets(%dma_start3A_197 : memref<100xi32, #tpu.memory_space<vmem>>) semaphore(%arg8 : memref<!tpu.dma_semaphore, #tpu.memory_space<semaphore_mem>>)
        %mul3A_201 = arith.constant 4 : i32
        %mul3A_202 = arith.muli %add3A_170, %mul3A_201 : i32
        %add3A_203 = arith.constant 2 : i32
        %add3A_204 = arith.addi %mul3A_202, %add3A_203 : i32
        %dma_start3A_205 = arith.constant 0 : i32
        %dma_start3A_206 = arith.constant 200 : i32
        %dma_start3A_207 = arith.constant 0 : i32
        %dma_start3A_208 = tpu.memref_slice %arg6[%dma_start3A_205, %dma_start3A_206, %dma_start3A_207] : memref<2x400x64xf32, #tpu.memory_space<vmem>> -> memref<1x100x64xf32, #tpu.memory_space<vmem>>
        %dma_start3A_209 = tpu.memref_squeeze %dma_start3A_208 : memref<1x100x64xf32, #tpu.memory_space<vmem>> -> memref<100x64xf32, #tpu.memory_space<vmem>>
        %dma_start3A_210 = arith.constant 0 : i32
        %dma_start3A_211 = tpu.memref_slice %arg5[%add3A_204, %dma_start3A_210] : memref<128x100xi32, #tpu.memory_space<vmem>> -> memref<1x100xi32, #tpu.memory_space<vmem>>
        %dma_start3A_212 = tpu.memref_squeeze %dma_start3A_211 : memref<1x100xi32, #tpu.memory_space<vmem>> -> memref<100xi32, #tpu.memory_space<vmem>>
        %dma_start3A_213 = arith.constant 0 : i32
        %dma_start3A_214 = arith.constant 0 : i32
        %dma_start3A_215 = tpu.memref_slice %arg2[%dma_start3A_213, %dma_start3A_214] : memref<1000000x64xf32, #tpu.memory_space<hbm>> -> memref<1000000x64xf32, #tpu.memory_space<hbm>>
        tpu.enqueue_indirect_dma source(%dma_start3A_215 : memref<1000000x64xf32, #tpu.memory_space<hbm>>) target(%dma_start3A_209 : memref<100x64xf32, #tpu.memory_space<vmem>>) offsets(%dma_start3A_212 : memref<100xi32, #tpu.memory_space<vmem>>) semaphore(%arg8 : memref<!tpu.dma_semaphore, #tpu.memory_space<semaphore_mem>>)
        %mul3A_216 = arith.constant 4 : i32
        %mul3A_217 = arith.muli %add3A_170, %mul3A_216 : i32
        %add3A_218 = arith.constant 3 : i32
        %add3A_219 = arith.addi %mul3A_217, %add3A_218 : i32
        %dma_start3A_220 = arith.constant 0 : i32
        %dma_start3A_221 = arith.constant 300 : i32
        %dma_start3A_222 = arith.constant 0 : i32
        %dma_start3A_223 = tpu.memref_slice %arg6[%dma_start3A_220, %dma_start3A_221, %dma_start3A_222] : memref<2x400x64xf32, #tpu.memory_space<vmem>> -> memref<1x100x64xf32, #tpu.memory_space<vmem>>
        %dma_start3A_224 = tpu.memref_squeeze %dma_start3A_223 : memref<1x100x64xf32, #tpu.memory_space<vmem>> -> memref<100x64xf32, #tpu.memory_space<vmem>>
        %dma_start3A_225 = arith.constant 0 : i32
        %dma_start3A_226 = tpu.memref_slice %arg5[%add3A_219, %dma_start3A_225] : memref<128x100xi32, #tpu.memory_space<vmem>> -> memref<1x100xi32, #tpu.memory_space<vmem>>
        %dma_start3A_227 = tpu.memref_squeeze %dma_start3A_226 : memref<1x100xi32, #tpu.memory_space<vmem>> -> memref<100xi32, #tpu.memory_space<vmem>>
        %dma_start3A_228 = arith.constant 0 : i32
        %dma_start3A_229 = arith.constant 0 : i32
        %dma_start3A_230 = tpu.memref_slice %arg2[%dma_start3A_228, %dma_start3A_229] : memref<1000000x64xf32, #tpu.memory_space<hbm>> -> memref<1000000x64xf32, #tpu.memory_space<hbm>>
        tpu.enqueue_indirect_dma source(%dma_start3A_230 : memref<1000000x64xf32, #tpu.memory_space<hbm>>) target(%dma_start3A_224 : memref<100x64xf32, #tpu.memory_space<vmem>>) offsets(%dma_start3A_227 : memref<100xi32, #tpu.memory_space<vmem>>) semaphore(%arg8 : memref<!tpu.dma_semaphore, #tpu.memory_space<semaphore_mem>>)
      } else {
      }
      %dma_wait3A_145 = arith.constant 1 : i32
      %dma_wait3A_146 = arith.constant 0 : i32
      %dma_wait3A_147 = arith.constant 0 : i32
      %dma_wait3A_148 = tpu.memref_slice %arg6[%dma_wait3A_145, %dma_wait3A_146, %dma_wait3A_147] : memref<2x400x64xf32, #tpu.memory_space<vmem>> -> memref<1x400x64xf32, #tpu.memory_space<vmem>>
      %dma_wait3A_149 = tpu.memref_squeeze %dma_wait3A_148 : memref<1x400x64xf32, #tpu.memory_space<vmem>> -> memref<400x64xf32, #tpu.memory_space<vmem>>
      %dma_wait3A_150 = arith.constant 0 : i32
      %dma_wait3A_151 = arith.constant 0 : i32
      %dma_wait3A_152 = tpu.memref_slice %arg2[%dma_wait3A_150, %dma_wait3A_151] : memref<1000000x64xf32, #tpu.memory_space<hbm>> -> memref<400x64xf32, #tpu.memory_space<hbm>>
      %dma_wait3A_153 = arith.constant 0 : i32
      %dma_wait3A_154 = arith.constant 0 : i32
      %dma_wait3A_155 = tpu.memref_slice %arg6[%dma_wait3A_145, %dma_wait3A_153, %dma_wait3A_154] : memref<2x400x64xf32, #tpu.memory_space<vmem>> -> memref<1x400x64xf32, #tpu.memory_space<vmem>>
      %dma_wait3A_156 = tpu.memref_squeeze %dma_wait3A_155 : memref<1x400x64xf32, #tpu.memory_space<vmem>> -> memref<400x64xf32, #tpu.memory_space<vmem>>
      %dma_wait3A_157 = arith.constant 0 : i32
      %dma_wait3A_158 = arith.constant 0 : i32
      %dma_wait3A_159 = tpu.memref_slice %arg2[%dma_wait3A_157, %dma_wait3A_158] : memref<1000000x64xf32, #tpu.memory_space<hbm>> -> memref<400x64xf32, #tpu.memory_space<hbm>>
      tpu.wait_dma2 semaphore(%arg9 : memref<!tpu.dma_semaphore, #tpu.memory_space<semaphore_mem>>) src(%dma_wait3A_159 : memref<400x64xf32, #tpu.memory_space<hbm>>) dst(%dma_wait3A_156 : memref<400x64xf32, #tpu.memory_space<vmem>>)
      %add3A_160 = arith.constant 1 : i32
      %add3A_161 = arith.addi %mul3A_59, %add3A_160 : i32
      %scan3A_162 = arith.constant 0 : i32
      %scan3A_163 = arith.constant 1 : i32
      %scan3A_164 = arith.constant 0 : i32
      %scan3A_165 = arith.constant 8 : i32
      %scan3A_166 = arith.addi %scan3A_164, %scan3A_165 : i32
      %scan3A_167 = arith.constant 1 : i32
      scf.for %scan3A_169 = %scan3A_164 to %scan3A_166 step %scan3A_167  : i32 {
        %mul3A_170 = arith.constant 8 : i32
        %mul3A_171 = arith.muli %add3A_161, %mul3A_170 : i32
        %add3A_172 = arith.addi %mul3A_171, %scan3A_169 : i32
        %mul3A_173 = arith.constant 4 : i32
        %mul3A_174 = arith.muli %add3A_161, %mul3A_173 : i32
        %div3A = arith.constant 2 : i32
        %div3A_175 = arith.divsi %scan3A_169, %div3A : i32
        %add3A_176 = arith.addi %mul3A_174, %div3A_175 : i32
        %rem3A = arith.constant 2 : i32
        %rem3A_177 = arith.remsi %scan3A_169, %rem3A : i32
        %mul3A_178 = arith.constant 50 : i32
        %mul3A_179 = arith.muli %rem3A_177, %mul3A_178 : i32
        %get3A = arith.index_cast %add3A_176 : i32 to index
        %get3A_180 = arith.index_cast %mul3A_179 : i32 to index
        %get3A_181 = tpu.vector_load %arg5[%get3A, %get3A_180] {strides = array<i32>} : memref<128x100xi32, #tpu.memory_space<vmem>>, vector<1x16xi32>,
        %get3A_182 = vector.shape_cast %get3A_181 : vector<1x16xi32> to vector<16xi32>
        %add3A_183 = arith.constant 16 : i32
        %add3A_184 = arith.addi %mul3A_179, %add3A_183 : i32
        %get3A_185 = arith.index_cast %add3A_176 : i32 to index
        %get3A_186 = arith.index_cast %add3A_184 : i32 to index
        %get3A_187 = tpu.vector_load %arg5[%get3A_185, %get3A_186] {strides = array<i32>} : memref<128x100xi32, #tpu.memory_space<vmem>>, vector<1x16xi32>,
        %get3A_188 = vector.shape_cast %get3A_187 : vector<1x16xi32> to vector<16xi32>
        %add3A_189 = arith.constant 32 : i32
        %add3A_190 = arith.addi %mul3A_179, %add3A_189 : i32
        %get3A_191 = arith.index_cast %add3A_176 : i32 to index
        %get3A_192 = arith.index_cast %add3A_190 : i32 to index
        %get3A_193 = tpu.vector_load %arg5[%get3A_191, %get3A_192] {strides = array<i32>} : memref<128x100xi32, #tpu.memory_space<vmem>>, vector<1x16xi32>,
        %get3A_194 = vector.shape_cast %get3A_193 : vector<1x16xi32> to vector<16xi32>
        %add3A_195 = arith.constant 50 : i32
        %add3A_196 = arith.addi %mul3A_179, %add3A_195 : i32
        %sub3A = arith.constant 16 : i32
        %sub3A_197 = arith.subi %add3A_196, %sub3A : i32
        %get3A_198 = arith.index_cast %add3A_176 : i32 to index
        %get3A_199 = arith.index_cast %sub3A_197 : i32 to index
        %get3A_200 = tpu.vector_load %arg5[%get3A_198, %get3A_199] {strides = array<i32>} : memref<128x100xi32, #tpu.memory_space<vmem>>, vector<1x16xi32>,
        %get3A_201 = vector.shape_cast %get3A_200 : vector<1x16xi32> to vector<16xi32>
        %iota3A = tpu.iota {dimensions = array<i32: 0>} : vector<16xi32>
        %broadcast_in_dim3A = arith.constant 1.000000e+00 : f32
        %broadcast_in_dim3A_202 = vector.broadcast %broadcast_in_dim3A : f32 to vector<16xf32>
        %broadcast_in_dim3A_203 = arith.constant 0.000000e+00 : f32
        %broadcast_in_dim3A_204 = vector.broadcast %broadcast_in_dim3A_203 : f32 to vector<16xf32>
        %ne3A = arith.constant 0 : i32
        %ne3A_205 = vector.broadcast %ne3A : i32 to vector<16xi32>
        %ne3A_206 = arith.cmpi ne, %get3A_182, %ne3A_205 : vector<16xi32>
        %select_n3A = arith.select %ne3A_206, %broadcast_in_dim3A_202, %broadcast_in_dim3A_204 : vector<16xi1>, vector<16xf32>
        %ne3A_207 = arith.constant 0 : i32
        %ne3A_208 = vector.broadcast %ne3A_207 : i32 to vector<16xi32>
        %ne3A_209 = arith.cmpi ne, %get3A_188, %ne3A_208 : vector<16xi32>
        %select_n3A_210 = arith.select %ne3A_209, %broadcast_in_dim3A_202, %broadcast_in_dim3A_204 : vector<16xi1>, vector<16xf32>
        %add3A_211 = arith.addf %select_n3A, %select_n3A_210 : vector<16xf32>
        %ne3A_212 = arith.constant 0 : i32
        %ne3A_213 = vector.broadcast %ne3A_212 : i32 to vector<16xi32>
        %ne3A_214 = arith.cmpi ne, %get3A_194, %ne3A_213 : vector<16xi32>
        %select_n3A_215 = arith.select %ne3A_214, %broadcast_in_dim3A_202, %broadcast_in_dim3A_204 : vector<16xi1>, vector<16xf32>
        %add3A_216 = arith.addf %add3A_211, %select_n3A_215 : vector<16xf32>
        %ne3A_217 = arith.constant 0 : i32
        %ne3A_218 = vector.broadcast %ne3A_217 : i32 to vector<16xi32>
        %ne3A_219 = arith.cmpi ne, %get3A_201, %ne3A_218 : vector<16xi32>
        %ge3A = arith.constant 14 : i32
        %ge3A_220 = vector.broadcast %ge3A : i32 to vector<16xi32>
        %ge3A_221 = arith.cmpi sge, %iota3A, %ge3A_220 : vector<16xi32>
        %and3A = arith.andi %ne3A_219, %ge3A_221 : vector<16xi1>
        %select_n3A_222 = arith.select %and3A, %broadcast_in_dim3A_202, %broadcast_in_dim3A_204 : vector<16xi1>, vector<16xf32>
        %add3A_223 = arith.addf %add3A_216, %select_n3A_222 : vector<16xf32>
        %iota3A_224 = tpu.iota {dimensions = array<i32: 0>} : vector<16xi32>
        %xor3A = arith.constant 1 : i32
        %xor3A_225 = vector.broadcast %xor3A : i32 to vector<16xi32>
        %xor3A_226 = arith.xori %iota3A_224, %xor3A_225 : vector<16xi32>
        %broadcast_in_dim3A_227 = vector.shape_cast %xor3A_226 : vector<16xi32> to vector<16x1xi32>
        %gather3A = vector.shape_cast %broadcast_in_dim3A_227 : vector<16x1xi32> to vector<16xi32>
        %gather3A_228 = tpu.dynamic_gather %add3A_223[%gather3A] in [0] : vector<16xf32>, vector<16xi32> -> vector<16xf32>
        %add3A_229 = arith.addf %add3A_223, %gather3A_228 : vector<16xf32>
        %xor3A_230 = arith.constant 2 : i32
        %xor3A_231 = vector.broadcast %xor3A_230 : i32 to vector<16xi32>
        %xor3A_232 = arith.xori %iota3A_224, %xor3A_231 : vector<16xi32>
        %broadcast_in_dim3A_233 = vector.shape_cast %xor3A_232 : vector<16xi32> to vector<16x1xi32>
        %gather3A_234 = vector.shape_cast %broadcast_in_dim3A_233 : vector<16x1xi32> to vector<16xi32>
        %gather3A_235 = tpu.dynamic_gather %add3A_229[%gather3A_234] in [0] : vector<16xf32>, vector<16xi32> -> vector<16xf32>
        %add3A_236 = arith.addf %add3A_229, %gather3A_235 : vector<16xf32>
        %xor3A_237 = arith.constant 4 : i32
        %xor3A_238 = vector.broadcast %xor3A_237 : i32 to vector<16xi32>
        %xor3A_239 = arith.xori %iota3A_224, %xor3A_238 : vector<16xi32>
        %broadcast_in_dim3A_240 = vector.shape_cast %xor3A_239 : vector<16xi32> to vector<16x1xi32>
        %gather3A_241 = vector.shape_cast %broadcast_in_dim3A_240 : vector<16x1xi32> to vector<16xi32>
        %gather3A_242 = tpu.dynamic_gather %add3A_236[%gather3A_241] in [0] : vector<16xf32>, vector<16xi32> -> vector<16xf32>
        %add3A_243 = arith.addf %add3A_236, %gather3A_242 : vector<16xf32>
        %xor3A_244 = arith.constant 8 : i32
        %xor3A_245 = vector.broadcast %xor3A_244 : i32 to vector<16xi32>
        %xor3A_246 = arith.xori %iota3A_224, %xor3A_245 : vector<16xi32>
        %broadcast_in_dim3A_247 = vector.shape_cast %xor3A_246 : vector<16xi32> to vector<16x1xi32>
        %gather3A_248 = vector.shape_cast %broadcast_in_dim3A_247 : vector<16x1xi32> to vector<16xi32>
        %gather3A_249 = tpu.dynamic_gather %add3A_243[%gather3A_248] in [0] : vector<16xf32>, vector<16xi32> -> vector<16xf32>
        %add3A_250 = arith.addf %add3A_243, %gather3A_249 : vector<16xf32>
        %mul3A_251 = arith.constant 50 : i32
        %mul3A_252 = arith.muli %scan3A_169, %mul3A_251 : i32
        %broadcast_in_dim3A_253 = arith.constant 0.000000e+00 : f32
        %broadcast_in_dim3A_254 = vector.broadcast %broadcast_in_dim3A_253 : f32 to vector<16xf32>
        %scan3A_255 = arith.constant 0 : i32
        %scan3A_256 = arith.constant 50 : i32
        %scan3A_257 = arith.addi %scan3A_255, %scan3A_256 : i32
        %scan3A_258 = arith.constant 5 : i32
        %scan3A_259:4 = scf.for %scan3A_289 = %scan3A_255 to %scan3A_257 step %scan3A_258 iter_args(%scan3A_290 = %broadcast_in_dim3A_254, %scan3A_291 = %broadcast_in_dim3A_254, %scan3A_292 = %broadcast_in_dim3A_254, %scan3A_293 = %broadcast_in_dim3A_254) -> (vector<16xf32>, vector<16xf32>, vector<16xf32>, vector<16xf32>)  : i32 {
          %add3A_294 = arith.addi %mul3A_252, %scan3A_289 : i32
          %get3A_295 = arith.constant 0 : i32
          %get3A_296 = arith.constant 0 : i32
          %get3A_297 = tpu.memref_slice %arg6[%scan3A_163, %get3A_295, %get3A_296] : memref<2x400x64xf32, #tpu.memory_space<vmem>> -> memref<1x400x64xf32, #tpu.memory_space<vmem>>
          %get3A_298 = tpu.memref_squeeze %get3A_297 : memref<1x400x64xf32, #tpu.memory_space<vmem>> -> memref<400x64xf32, #tpu.memory_space<vmem>>
          %get3A_299 = arith.index_cast %add3A_294 : i32 to index
          %get3A_300 = arith.constant 0 : index
          %get3A_301 = tpu.vector_load %get3A_298[%get3A_299, %get3A_300] {strides = array<i32>} : memref<400x64xf32, #tpu.memory_space<vmem>>, vector<1x16xf32>,
          %get3A_302 = vector.shape_cast %get3A_301 : vector<1x16xf32> to vector<16xf32>
          %add3A_303 = arith.addi %mul3A_252, %scan3A_289 : i32
          %get3A_304 = arith.constant 0 : i32
          %get3A_305 = arith.constant 0 : i32
          %get3A_306 = tpu.memref_slice %arg6[%scan3A_163, %get3A_304, %get3A_305] : memref<2x400x64xf32, #tpu.memory_space<vmem>> -> memref<1x400x64xf32, #tpu.memory_space<vmem>>
          %get3A_307 = tpu.memref_squeeze %get3A_306 : memref<1x400x64xf32, #tpu.memory_space<vmem>> -> memref<400x64xf32, #tpu.memory_space<vmem>>
          %get3A_308 = arith.index_cast %add3A_303 : i32 to index
          %get3A_309 = arith.constant 16 : index
          %get3A_310 = tpu.vector_load %get3A_307[%get3A_308, %get3A_309] {strides = array<i32>} : memref<400x64xf32, #tpu.memory_space<vmem>>, vector<1x16xf32>,
          %get3A_311 = vector.shape_cast %get3A_310 : vector<1x16xf32> to vector<16xf32>
          %add3A_312 = arith.addi %mul3A_252, %scan3A_289 : i32
          %get3A_313 = arith.constant 0 : i32
          %get3A_314 = arith.constant 0 : i32
          %get3A_315 = tpu.memref_slice %arg6[%scan3A_163, %get3A_313, %get3A_314] : memref<2x400x64xf32, #tpu.memory_space<vmem>> -> memref<1x400x64xf32, #tpu.memory_space<vmem>>
          %get3A_316 = tpu.memref_squeeze %get3A_315 : memref<1x400x64xf32, #tpu.memory_space<vmem>> -> memref<400x64xf32, #tpu.memory_space<vmem>>
          %get3A_317 = arith.index_cast %add3A_312 : i32 to index
          %get3A_318 = arith.constant 32 : index
          %get3A_319 = tpu.vector_load %get3A_316[%get3A_317, %get3A_318] {strides = array<i32>} : memref<400x64xf32, #tpu.memory_space<vmem>>, vector<1x16xf32>,
          %get3A_320 = vector.shape_cast %get3A_319 : vector<1x16xf32> to vector<16xf32>
          %add3A_321 = arith.addi %mul3A_252, %scan3A_289 : i32
          %get3A_322 = arith.constant 0 : i32
          %get3A_323 = arith.constant 0 : i32
          %get3A_324 = tpu.memref_slice %arg6[%scan3A_163, %get3A_322, %get3A_323] : memref<2x400x64xf32, #tpu.memory_space<vmem>> -> memref<1x400x64xf32, #tpu.memory_space<vmem>>
          %get3A_325 = tpu.memref_squeeze %get3A_324 : memref<1x400x64xf32, #tpu.memory_space<vmem>> -> memref<400x64xf32, #tpu.memory_space<vmem>>
          %get3A_326 = arith.index_cast %add3A_321 : i32 to index
          %get3A_327 = arith.constant 48 : index
          %get3A_328 = tpu.vector_load %get3A_325[%get3A_326, %get3A_327] {strides = array<i32>} : memref<400x64xf32, #tpu.memory_space<vmem>>, vector<1x16xf32>,
          %get3A_329 = vector.shape_cast %get3A_328 : vector<1x16xf32> to vector<16xf32>
          %mul3A_330 = arith.mulf %get3A_302, %get3A_302 : vector<16xf32>
          %mul3A_331 = arith.mulf %get3A_311, %get3A_311 : vector<16xf32>
          %add3A_332 = arith.addf %mul3A_330, %mul3A_331 : vector<16xf32>
          %mul3A_333 = arith.mulf %get3A_320, %get3A_320 : vector<16xf32>
          %add3A_334 = arith.addf %add3A_332, %mul3A_333 : vector<16xf32>
          %mul3A_335 = arith.mulf %get3A_329, %get3A_329 : vector<16xf32>
          %add3A_336 = arith.addf %add3A_334, %mul3A_335 : vector<16xf32>
          %iota3A_337 = tpu.iota {dimensions = array<i32: 0>} : vector<16xi32>
          %xor3A_338 = arith.constant 1 : i32
          %xor3A_339 = vector.broadcast %xor3A_338 : i32 to vector<16xi32>
          %xor3A_340 = arith.xori %iota3A_337, %xor3A_339 : vector<16xi32>
          %broadcast_in_dim3A_341 = vector.shape_cast %xor3A_340 : vector<16xi32> to vector<16x1xi32>
          %gather3A_342 = vector.shape_cast %broadcast_in_dim3A_341 : vector<16x1xi32> to vector<16xi32>
          %gather3A_343 = tpu.dynamic_gather %add3A_336[%gather3A_342] in [0] : vector<16xf32>, vector<16xi32> -> vector<16xf32>
          %add3A_344 = arith.addf %add3A_336, %gather3A_343 : vector<16xf32>
          %xor3A_345 = arith.constant 2 : i32
          %xor3A_346 = vector.broadcast %xor3A_345 : i32 to vector<16xi32>
          %xor3A_347 = arith.xori %iota3A_337, %xor3A_346 : vector<16xi32>
          %broadcast_in_dim3A_348 = vector.shape_cast %xor3A_347 : vector<16xi32> to vector<16x1xi32>
          %gather3A_349 = vector.shape_cast %broadcast_in_dim3A_348 : vector<16x1xi32> to vector<16xi32>
          %gather3A_350 = tpu.dynamic_gather %add3A_344[%gather3A_349] in [0] : vector<16xf32>, vector<16xi32> -> vector<16xf32>
          %add3A_351 = arith.addf %add3A_344, %gather3A_350 : vector<16xf32>
          %xor3A_352 = arith.constant 4 : i32
          %xor3A_353 = vector.broadcast %xor3A_352 : i32 to vector<16xi32>
          %xor3A_354 = arith.xori %iota3A_337, %xor3A_353 : vector<16xi32>
          %broadcast_in_dim3A_355 = vector.shape_cast %xor3A_354 : vector<16xi32> to vector<16x1xi32>
          %gather3A_356 = vector.shape_cast %broadcast_in_dim3A_355 : vector<16x1xi32> to vector<16xi32>
          %gather3A_357 = tpu.dynamic_gather %add3A_351[%gather3A_356] in [0] : vector<16xf32>, vector<16xi32> -> vector<16xf32>
          %add3A_358 = arith.addf %add3A_351, %gather3A_357 : vector<16xf32>
          %xor3A_359 = arith.constant 8 : i32
          %xor3A_360 = vector.broadcast %xor3A_359 : i32 to vector<16xi32>
          %xor3A_361 = arith.xori %iota3A_337, %xor3A_360 : vector<16xi32>
          %broadcast_in_dim3A_362 = vector.shape_cast %xor3A_361 : vector<16xi32> to vector<16x1xi32>
          %gather3A_363 = vector.shape_cast %broadcast_in_dim3A_362 : vector<16x1xi32> to vector<16xi32>
          %gather3A_364 = tpu.dynamic_gather %add3A_358[%gather3A_363] in [0] : vector<16xf32>, vector<16xi32> -> vector<16xf32>
          %add3A_365 = arith.addf %add3A_358, %gather3A_364 : vector<16xf32>
          %max3A_366 = arith.constant 1.000000e+00 : f32
          %max3A_367 = vector.broadcast %max3A_366 : f32 to vector<16xf32>
          %max3A_368 = arith.maximumf %add3A_365, %max3A_367 : vector<16xf32>
          %bitcast_convert_type3A = tpu.bitcast %max3A_368 : vector<16xf32> -> vector<16xi32>
          %shift_right_arithmetic3A = arith.constant 1 : i32
          %shift_right_arithmetic3A_369 = vector.broadcast %shift_right_arithmetic3A : i32 to vector<16xi32>
          %shift_right_arithmetic3A_370 = arith.shrsi %bitcast_convert_type3A, %shift_right_arithmetic3A_369 : vector<16xi32>
          %sub3A_371 = arith.constant 1597463174 : i32
          %sub3A_372 = vector.broadcast %sub3A_371 : i32 to vector<16xi32>
          %sub3A_373 = arith.subi %sub3A_372, %shift_right_arithmetic3A_370 : vector<16xi32>
          %bitcast_convert_type3A_374 = tpu.bitcast %sub3A_373 : vector<16xi32> -> vector<16xf32>
          %mul3A_375 = arith.constant -5.000000e-01 : f32
          %mul3A_376 = vector.broadcast %mul3A_375 : f32 to vector<16xf32>
          %mul3A_377 = arith.mulf %mul3A_376, %max3A_368 : vector<16xf32>
          %mul3A_378 = arith.mulf %mul3A_377, %bitcast_convert_type3A_374 : vector<16xf32>
          %mul3A_379 = arith.mulf %mul3A_378, %bitcast_convert_type3A_374 : vector<16xf32>
          %add3A_380 = arith.constant 1.500000e+00 : f32
          %add3A_381 = vector.broadcast %add3A_380 : f32 to vector<16xf32>
          %add3A_382 = arith.addf %add3A_381, %mul3A_379 : vector<16xf32>
          %mul3A_383 = arith.mulf %bitcast_convert_type3A_374, %add3A_382 : vector<16xf32>
          %mul3A_384 = arith.constant 1.000000e+01 : f32
          %mul3A_385 = vector.broadcast %mul3A_384 : f32 to vector<16xf32>
          %mul3A_386 = arith.mulf %mul3A_385, %mul3A_383 : vector<16xf32>
          %min3A = arith.constant 1.000000e+00 : f32
          %min3A_387 = vector.broadcast %min3A : f32 to vector<16xf32>
          %min3A_388 = arith.minimumf %min3A_387, %mul3A_386 : vector<16xf32>
          %mul3A_389 = arith.mulf %get3A_302, %min3A_388 : vector<16xf32>
          %add3A_390 = arith.addf %scan3A_290, %mul3A_389 : vector<16xf32>
          %mul3A_391 = arith.mulf %get3A_311, %min3A_388 : vector<16xf32>
          %add3A_392 = arith.addf %scan3A_291, %mul3A_391 : vector<16xf32>
          %mul3A_393 = arith.mulf %get3A_320, %min3A_388 : vector<16xf32>
          %add3A_394 = arith.addf %scan3A_292, %mul3A_393 : vector<16xf32>
          %mul3A_395 = arith.mulf %get3A_329, %min3A_388 : vector<16xf32>
          %add3A_396 = arith.addf %scan3A_293, %mul3A_395 : vector<16xf32>
          %scan3A_397 = arith.constant 1 : i32
          %scan3A_398 = arith.addi %scan3A_289, %scan3A_397 : i32
          %add3A_399 = arith.addi %mul3A_252, %scan3A_398 : i32
          %get3A_400 = arith.constant 0 : i32
          %get3A_401 = arith.constant 0 : i32
          %get3A_402 = tpu.memref_slice %arg6[%scan3A_163, %get3A_400, %get3A_401] : memref<2x400x64xf32, #tpu.memory_space<vmem>> -> memref<1x400x64xf32, #tpu.memory_space<vmem>>
          %get3A_403 = tpu.memref_squeeze %get3A_402 : memref<1x400x64xf32, #tpu.memory_space<vmem>> -> memref<400x64xf32, #tpu.memory_space<vmem>>
          %get3A_404 = arith.index_cast %add3A_399 : i32 to index
          %get3A_405 = arith.constant 0 : index
          %get3A_406 = tpu.vector_load %get3A_403[%get3A_404, %get3A_405] {strides = array<i32>} : memref<400x64xf32, #tpu.memory_space<vmem>>, vector<1x16xf32>,
          %get3A_407 = vector.shape_cast %get3A_406 : vector<1x16xf32> to vector<16xf32>
          %add3A_408 = arith.addi %mul3A_252, %scan3A_398 : i32
          %get3A_409 = arith.constant 0 : i32
          %get3A_410 = arith.constant 0 : i32
          %get3A_411 = tpu.memref_slice %arg6[%scan3A_163, %get3A_409, %get3A_410] : memref<2x400x64xf32, #tpu.memory_space<vmem>> -> memref<1x400x64xf32, #tpu.memory_space<vmem>>
          %get3A_412 = tpu.memref_squeeze %get3A_411 : memref<1x400x64xf32, #tpu.memory_space<vmem>> -> memref<400x64xf32, #tpu.memory_space<vmem>>
          %get3A_413 = arith.index_cast %add3A_408 : i32 to index
          %get3A_414 = arith.constant 16 : index
          %get3A_415 = tpu.vector_load %get3A_412[%get3A_413, %get3A_414] {strides = array<i32>} : memref<400x64xf32, #tpu.memory_space<vmem>>, vector<1x16xf32>,
          %get3A_416 = vector.shape_cast %get3A_415 : vector<1x16xf32> to vector<16xf32>
          %add3A_417 = arith.addi %mul3A_252, %scan3A_398 : i32
          %get3A_418 = arith.constant 0 : i32
          %get3A_419 = arith.constant 0 : i32
          %get3A_420 = tpu.memref_slice %arg6[%scan3A_163, %get3A_418, %get3A_419] : memref<2x400x64xf32, #tpu.memory_space<vmem>> -> memref<1x400x64xf32, #tpu.memory_space<vmem>>
          %get3A_421 = tpu.memref_squeeze %get3A_420 : memref<1x400x64xf32, #tpu.memory_space<vmem>> -> memref<400x64xf32, #tpu.memory_space<vmem>>
          %get3A_422 = arith.index_cast %add3A_417 : i32 to index
          %get3A_423 = arith.constant 32 : index
          %get3A_424 = tpu.vector_load %get3A_421[%get3A_422, %get3A_423] {strides = array<i32>} : memref<400x64xf32, #tpu.memory_space<vmem>>, vector<1x16xf32>,
          %get3A_425 = vector.shape_cast %get3A_424 : vector<1x16xf32> to vector<16xf32>
          %add3A_426 = arith.addi %mul3A_252, %scan3A_398 : i32
          %get3A_427 = arith.constant 0 : i32
          %get3A_428 = arith.constant 0 : i32
          %get3A_429 = tpu.memref_slice %arg6[%scan3A_163, %get3A_427, %get3A_428] : memref<2x400x64xf32, #tpu.memory_space<vmem>> -> memref<1x400x64xf32, #tpu.memory_space<vmem>>
          %get3A_430 = tpu.memref_squeeze %get3A_429 : memref<1x400x64xf32, #tpu.memory_space<vmem>> -> memref<400x64xf32, #tpu.memory_space<vmem>>
          %get3A_431 = arith.index_cast %add3A_426 : i32 to index
          %get3A_432 = arith.constant 48 : index
          %get3A_433 = tpu.vector_load %get3A_430[%get3A_431, %get3A_432] {strides = array<i32>} : memref<400x64xf32, #tpu.memory_space<vmem>>, vector<1x16xf32>,
          %get3A_434 = vector.shape_cast %get3A_433 : vector<1x16xf32> to vector<16xf32>
          %mul3A_435 = arith.mulf %get3A_407, %get3A_407 : vector<16xf32>
          %mul3A_436 = arith.mulf %get3A_416, %get3A_416 : vector<16xf32>
          %add3A_437 = arith.addf %mul3A_435, %mul3A_436 : vector<16xf32>
          %mul3A_438 = arith.mulf %get3A_425, %get3A_425 : vector<16xf32>
          %add3A_439 = arith.addf %add3A_437, %mul3A_438 : vector<16xf32>
          %mul3A_440 = arith.mulf %get3A_434, %get3A_434 : vector<16xf32>
          %add3A_441 = arith.addf %add3A_439, %mul3A_440 : vector<16xf32>
          %iota3A_442 = tpu.iota {dimensions = array<i32: 0>} : vector<16xi32>
          %xor3A_443 = arith.constant 1 : i32
          %xor3A_444 = vector.broadcast %xor3A_443 : i32 to vector<16xi32>
          %xor3A_445 = arith.xori %iota3A_442, %xor3A_444 : vector<16xi32>
          %broadcast_in_dim3A_446 = vector.shape_cast %xor3A_445 : vector<16xi32> to vector<16x1xi32>
          %gather3A_447 = vector.shape_cast %broadcast_in_dim3A_446 : vector<16x1xi32> to vector<16xi32>
          %gather3A_448 = tpu.dynamic_gather %add3A_441[%gather3A_447] in [0] : vector<16xf32>, vector<16xi32> -> vector<16xf32>
          %add3A_449 = arith.addf %add3A_441, %gather3A_448 : vector<16xf32>
          %xor3A_450 = arith.constant 2 : i32
          %xor3A_451 = vector.broadcast %xor3A_450 : i32 to vector<16xi32>
          %xor3A_452 = arith.xori %iota3A_442, %xor3A_451 : vector<16xi32>
          %broadcast_in_dim3A_453 = vector.shape_cast %xor3A_452 : vector<16xi32> to vector<16x1xi32>
          %gather3A_454 = vector.shape_cast %broadcast_in_dim3A_453 : vector<16x1xi32> to vector<16xi32>
          %gather3A_455 = tpu.dynamic_gather %add3A_449[%gather3A_454] in [0] : vector<16xf32>, vector<16xi32> -> vector<16xf32>
          %add3A_456 = arith.addf %add3A_449, %gather3A_455 : vector<16xf32>
          %xor3A_457 = arith.constant 4 : i32
          %xor3A_458 = vector.broadcast %xor3A_457 : i32 to vector<16xi32>
          %xor3A_459 = arith.xori %iota3A_442, %xor3A_458 : vector<16xi32>
          %broadcast_in_dim3A_460 = vector.shape_cast %xor3A_459 : vector<16xi32> to vector<16x1xi32>
          %gather3A_461 = vector.shape_cast %broadcast_in_dim3A_460 : vector<16x1xi32> to vector<16xi32>
          %gather3A_462 = tpu.dynamic_gather %add3A_456[%gather3A_461] in [0] : vector<16xf32>, vector<16xi32> -> vector<16xf32>
          %add3A_463 = arith.addf %add3A_456, %gather3A_462 : vector<16xf32>
          %xor3A_464 = arith.constant 8 : i32
          %xor3A_465 = vector.broadcast %xor3A_464 : i32 to vector<16xi32>
          %xor3A_466 = arith.xori %iota3A_442, %xor3A_465 : vector<16xi32>
          %broadcast_in_dim3A_467 = vector.shape_cast %xor3A_466 : vector<16xi32> to vector<16x1xi32>
          %gather3A_468 = vector.shape_cast %broadcast_in_dim3A_467 : vector<16x1xi32> to vector<16xi32>
          %gather3A_469 = tpu.dynamic_gather %add3A_463[%gather3A_468] in [0] : vector<16xf32>, vector<16xi32> -> vector<16xf32>
          %add3A_470 = arith.addf %add3A_463, %gather3A_469 : vector<16xf32>
          %max3A_471 = arith.constant 1.000000e+00 : f32
          %max3A_472 = vector.broadcast %max3A_471 : f32 to vector<16xf32>
          %max3A_473 = arith.maximumf %add3A_470, %max3A_472 : vector<16xf32>
          %bitcast_convert_type3A_474 = tpu.bitcast %max3A_473 : vector<16xf32> -> vector<16xi32>
          %shift_right_arithmetic3A_475 = arith.constant 1 : i32
          %shift_right_arithmetic3A_476 = vector.broadcast %shift_right_arithmetic3A_475 : i32 to vector<16xi32>
          %shift_right_arithmetic3A_477 = arith.shrsi %bitcast_convert_type3A_474, %shift_right_arithmetic3A_476 : vector<16xi32>
          %sub3A_478 = arith.constant 1597463174 : i32
          %sub3A_479 = vector.broadcast %sub3A_478 : i32 to vector<16xi32>
          %sub3A_480 = arith.subi %sub3A_479, %shift_right_arithmetic3A_477 : vector<16xi32>
          %bitcast_convert_type3A_481 = tpu.bitcast %sub3A_480 : vector<16xi32> -> vector<16xf32>
          %mul3A_482 = arith.constant -5.000000e-01 : f32
          %mul3A_483 = vector.broadcast %mul3A_482 : f32 to vector<16xf32>
          %mul3A_484 = arith.mulf %mul3A_483, %max3A_473 : vector<16xf32>
          %mul3A_485 = arith.mulf %mul3A_484, %bitcast_convert_type3A_481 : vector<16xf32>
          %mul3A_486 = arith.mulf %mul3A_485, %bitcast_convert_type3A_481 : vector<16xf32>
          %add3A_487 = arith.constant 1.500000e+00 : f32
          %add3A_488 = vector.broadcast %add3A_487 : f32 to vector<16xf32>
          %add3A_489 = arith.addf %add3A_488, %mul3A_486 : vector<16xf32>
          %mul3A_490 = arith.mulf %bitcast_convert_type3A_481, %add3A_489 : vector<16xf32>
          %mul3A_491 = arith.constant 1.000000e+01 : f32
          %mul3A_492 = vector.broadcast %mul3A_491 : f32 to vector<16xf32>
          %mul3A_493 = arith.mulf %mul3A_492, %mul3A_490 : vector<16xf32>
          %min3A_494 = arith.constant 1.000000e+00 : f32
          %min3A_495 = vector.broadcast %min3A_494 : f32 to vector<16xf32>
          %min3A_496 = arith.minimumf %min3A_495, %mul3A_493 : vector<16xf32>
          %mul3A_497 = arith.mulf %get3A_407, %min3A_496 : vector<16xf32>
          %add3A_498 = arith.addf %add3A_390, %mul3A_497 : vector<16xf32>
          %mul3A_499 = arith.mulf %get3A_416, %min3A_496 : vector<16xf32>
          %add3A_500 = arith.addf %add3A_392, %mul3A_499 : vector<16xf32>
          %mul3A_501 = arith.mulf %get3A_425, %min3A_496 : vector<16xf32>
          %add3A_502 = arith.addf %add3A_394, %mul3A_501 : vector<16xf32>
          %mul3A_503 = arith.mulf %get3A_434, %min3A_496 : vector<16xf32>
          %add3A_504 = arith.addf %add3A_396, %mul3A_503 : vector<16xf32>
          %scan3A_505 = arith.constant 2 : i32
          %scan3A_506 = arith.addi %scan3A_289, %scan3A_505 : i32
          %add3A_507 = arith.addi %mul3A_252, %scan3A_506 : i32
          %get3A_508 = arith.constant 0 : i32
          %get3A_509 = arith.constant 0 : i32
          %get3A_510 = tpu.memref_slice %arg6[%scan3A_163, %get3A_508, %get3A_509] : memref<2x400x64xf32, #tpu.memory_space<vmem>> -> memref<1x400x64xf32, #tpu.memory_space<vmem>>
          %get3A_511 = tpu.memref_squeeze %get3A_510 : memref<1x400x64xf32, #tpu.memory_space<vmem>> -> memref<400x64xf32, #tpu.memory_space<vmem>>
          %get3A_512 = arith.index_cast %add3A_507 : i32 to index
          %get3A_513 = arith.constant 0 : index
          %get3A_514 = tpu.vector_load %get3A_511[%get3A_512, %get3A_513] {strides = array<i32>} : memref<400x64xf32, #tpu.memory_space<vmem>>, vector<1x16xf32>,
          %get3A_515 = vector.shape_cast %get3A_514 : vector<1x16xf32> to vector<16xf32>
          %add3A_516 = arith.addi %mul3A_252, %scan3A_506 : i32
          %get3A_517 = arith.constant 0 : i32
          %get3A_518 = arith.constant 0 : i32
          %get3A_519 = tpu.memref_slice %arg6[%scan3A_163, %get3A_517, %get3A_518] : memref<2x400x64xf32, #tpu.memory_space<vmem>> -> memref<1x400x64xf32, #tpu.memory_space<vmem>>
          %get3A_520 = tpu.memref_squeeze %get3A_519 : memref<1x400x64xf32, #tpu.memory_space<vmem>> -> memref<400x64xf32, #tpu.memory_space<vmem>>
          %get3A_521 = arith.index_cast %add3A_516 : i32 to index
          %get3A_522 = arith.constant 16 : index
          %get3A_523 = tpu.vector_load %get3A_520[%get3A_521, %get3A_522] {strides = array<i32>} : memref<400x64xf32, #tpu.memory_space<vmem>>, vector<1x16xf32>,
          %get3A_524 = vector.shape_cast %get3A_523 : vector<1x16xf32> to vector<16xf32>
          %add3A_525 = arith.addi %mul3A_252, %scan3A_506 : i32
          %get3A_526 = arith.constant 0 : i32
          %get3A_527 = arith.constant 0 : i32
          %get3A_528 = tpu.memref_slice %arg6[%scan3A_163, %get3A_526, %get3A_527] : memref<2x400x64xf32, #tpu.memory_space<vmem>> -> memref<1x400x64xf32, #tpu.memory_space<vmem>>
          %get3A_529 = tpu.memref_squeeze %get3A_528 : memref<1x400x64xf32, #tpu.memory_space<vmem>> -> memref<400x64xf32, #tpu.memory_space<vmem>>
          %get3A_530 = arith.index_cast %add3A_525 : i32 to index
          %get3A_531 = arith.constant 32 : index
          %get3A_532 = tpu.vector_load %get3A_529[%get3A_530, %get3A_531] {strides = array<i32>} : memref<400x64xf32, #tpu.memory_space<vmem>>, vector<1x16xf32>,
          %get3A_533 = vector.shape_cast %get3A_532 : vector<1x16xf32> to vector<16xf32>
          %add3A_534 = arith.addi %mul3A_252, %scan3A_506 : i32
          %get3A_535 = arith.constant 0 : i32
          %get3A_536 = arith.constant 0 : i32
          %get3A_537 = tpu.memref_slice %arg6[%scan3A_163, %get3A_535, %get3A_536] : memref<2x400x64xf32, #tpu.memory_space<vmem>> -> memref<1x400x64xf32, #tpu.memory_space<vmem>>
          %get3A_538 = tpu.memref_squeeze %get3A_537 : memref<1x400x64xf32, #tpu.memory_space<vmem>> -> memref<400x64xf32, #tpu.memory_space<vmem>>
          %get3A_539 = arith.index_cast %add3A_534 : i32 to index
          %get3A_540 = arith.constant 48 : index
          %get3A_541 = tpu.vector_load %get3A_538[%get3A_539, %get3A_540] {strides = array<i32>} : memref<400x64xf32, #tpu.memory_space<vmem>>, vector<1x16xf32>,
          %get3A_542 = vector.shape_cast %get3A_541 : vector<1x16xf32> to vector<16xf32>
          %mul3A_543 = arith.mulf %get3A_515, %get3A_515 : vector<16xf32>
          %mul3A_544 = arith.mulf %get3A_524, %get3A_524 : vector<16xf32>
          %add3A_545 = arith.addf %mul3A_543, %mul3A_544 : vector<16xf32>
          %mul3A_546 = arith.mulf %get3A_533, %get3A_533 : vector<16xf32>
          %add3A_547 = arith.addf %add3A_545, %mul3A_546 : vector<16xf32>
          %mul3A_548 = arith.mulf %get3A_542, %get3A_542 : vector<16xf32>
          %add3A_549 = arith.addf %add3A_547, %mul3A_548 : vector<16xf32>
          %iota3A_550 = tpu.iota {dimensions = array<i32: 0>} : vector<16xi32>
          %xor3A_551 = arith.constant 1 : i32
          %xor3A_552 = vector.broadcast %xor3A_551 : i32 to vector<16xi32>
          %xor3A_553 = arith.xori %iota3A_550, %xor3A_552 : vector<16xi32>
          %broadcast_in_dim3A_554 = vector.shape_cast %xor3A_553 : vector<16xi32> to vector<16x1xi32>
          %gather3A_555 = vector.shape_cast %broadcast_in_dim3A_554 : vector<16x1xi32> to vector<16xi32>
          %gather3A_556 = tpu.dynamic_gather %add3A_549[%gather3A_555] in [0] : vector<16xf32>, vector<16xi32> -> vector<16xf32>
          %add3A_557 = arith.addf %add3A_549, %gather3A_556 : vector<16xf32>
          %xor3A_558 = arith.constant 2 : i32
          %xor3A_559 = vector.broadcast %xor3A_558 : i32 to vector<16xi32>
          %xor3A_560 = arith.xori %iota3A_550, %xor3A_559 : vector<16xi32>
          %broadcast_in_dim3A_561 = vector.shape_cast %xor3A_560 : vector<16xi32> to vector<16x1xi32>
          %gather3A_562 = vector.shape_cast %broadcast_in_dim3A_561 : vector<16x1xi32> to vector<16xi32>
          %gather3A_563 = tpu.dynamic_gather %add3A_557[%gather3A_562] in [0] : vector<16xf32>, vector<16xi32> -> vector<16xf32>
          %add3A_564 = arith.addf %add3A_557, %gather3A_563 : vector<16xf32>
          %xor3A_565 = arith.constant 4 : i32
          %xor3A_566 = vector.broadcast %xor3A_565 : i32 to vector<16xi32>
          %xor3A_567 = arith.xori %iota3A_550, %xor3A_566 : vector<16xi32>
          %broadcast_in_dim3A_568 = vector.shape_cast %xor3A_567 : vector<16xi32> to vector<16x1xi32>
          %gather3A_569 = vector.shape_cast %broadcast_in_dim3A_568 : vector<16x1xi32> to vector<16xi32>
          %gather3A_570 = tpu.dynamic_gather %add3A_564[%gather3A_569] in [0] : vector<16xf32>, vector<16xi32> -> vector<16xf32>
          %add3A_571 = arith.addf %add3A_564, %gather3A_570 : vector<16xf32>
          %xor3A_572 = arith.constant 8 : i32
          %xor3A_573 = vector.broadcast %xor3A_572 : i32 to vector<16xi32>
          %xor3A_574 = arith.xori %iota3A_550, %xor3A_573 : vector<16xi32>
          %broadcast_in_dim3A_575 = vector.shape_cast %xor3A_574 : vector<16xi32> to vector<16x1xi32>
          %gather3A_576 = vector.shape_cast %broadcast_in_dim3A_575 : vector<16x1xi32> to vector<16xi32>
          %gather3A_577 = tpu.dynamic_gather %add3A_571[%gather3A_576] in [0] : vector<16xf32>, vector<16xi32> -> vector<16xf32>
          %add3A_578 = arith.addf %add3A_571, %gather3A_577 : vector<16xf32>
          %max3A_579 = arith.constant 1.000000e+00 : f32
          %max3A_580 = vector.broadcast %max3A_579 : f32 to vector<16xf32>
          %max3A_581 = arith.maximumf %add3A_578, %max3A_580 : vector<16xf32>
          %bitcast_convert_type3A_582 = tpu.bitcast %max3A_581 : vector<16xf32> -> vector<16xi32>
          %shift_right_arithmetic3A_583 = arith.constant 1 : i32
          %shift_right_arithmetic3A_584 = vector.broadcast %shift_right_arithmetic3A_583 : i32 to vector<16xi32>
          %shift_right_arithmetic3A_585 = arith.shrsi %bitcast_convert_type3A_582, %shift_right_arithmetic3A_584 : vector<16xi32>
          %sub3A_586 = arith.constant 1597463174 : i32
          %sub3A_587 = vector.broadcast %sub3A_586 : i32 to vector<16xi32>
          %sub3A_588 = arith.subi %sub3A_587, %shift_right_arithmetic3A_585 : vector<16xi32>
          %bitcast_convert_type3A_589 = tpu.bitcast %sub3A_588 : vector<16xi32> -> vector<16xf32>
          %mul3A_590 = arith.constant -5.000000e-01 : f32
          %mul3A_591 = vector.broadcast %mul3A_590 : f32 to vector<16xf32>
          %mul3A_592 = arith.mulf %mul3A_591, %max3A_581 : vector<16xf32>
          %mul3A_593 = arith.mulf %mul3A_592, %bitcast_convert_type3A_589 : vector<16xf32>
          %mul3A_594 = arith.mulf %mul3A_593, %bitcast_convert_type3A_589 : vector<16xf32>
          %add3A_595 = arith.constant 1.500000e+00 : f32
          %add3A_596 = vector.broadcast %add3A_595 : f32 to vector<16xf32>
          %add3A_597 = arith.addf %add3A_596, %mul3A_594 : vector<16xf32>
          %mul3A_598 = arith.mulf %bitcast_convert_type3A_589, %add3A_597 : vector<16xf32>
          %mul3A_599 = arith.constant 1.000000e+01 : f32
          %mul3A_600 = vector.broadcast %mul3A_599 : f32 to vector<16xf32>
          %mul3A_601 = arith.mulf %mul3A_600, %mul3A_598 : vector<16xf32>
          %min3A_602 = arith.constant 1.000000e+00 : f32
          %min3A_603 = vector.broadcast %min3A_602 : f32 to vector<16xf32>
          %min3A_604 = arith.minimumf %min3A_603, %mul3A_601 : vector<16xf32>
          %mul3A_605 = arith.mulf %get3A_515, %min3A_604 : vector<16xf32>
          %add3A_606 = arith.addf %add3A_498, %mul3A_605 : vector<16xf32>
          %mul3A_607 = arith.mulf %get3A_524, %min3A_604 : vector<16xf32>
          %add3A_608 = arith.addf %add3A_500, %mul3A_607 : vector<16xf32>
          %mul3A_609 = arith.mulf %get3A_533, %min3A_604 : vector<16xf32>
          %add3A_610 = arith.addf %add3A_502, %mul3A_609 : vector<16xf32>
          %mul3A_611 = arith.mulf %get3A_542, %min3A_604 : vector<16xf32>
          %add3A_612 = arith.addf %add3A_504, %mul3A_611 : vector<16xf32>
          %scan3A_613 = arith.constant 3 : i32
          %scan3A_614 = arith.addi %scan3A_289, %scan3A_613 : i32
          %add3A_615 = arith.addi %mul3A_252, %scan3A_614 : i32
          %get3A_616 = arith.constant 0 : i32
          %get3A_617 = arith.constant 0 : i32
          %get3A_618 = tpu.memref_slice %arg6[%scan3A_163, %get3A_616, %get3A_617] : memref<2x400x64xf32, #tpu.memory_space<vmem>> -> memref<1x400x64xf32, #tpu.memory_space<vmem>>
          %get3A_619 = tpu.memref_squeeze %get3A_618 : memref<1x400x64xf32, #tpu.memory_space<vmem>> -> memref<400x64xf32, #tpu.memory_space<vmem>>
          %get3A_620 = arith.index_cast %add3A_615 : i32 to index
          %get3A_621 = arith.constant 0 : index
          %get3A_622 = tpu.vector_load %get3A_619[%get3A_620, %get3A_621] {strides = array<i32>} : memref<400x64xf32, #tpu.memory_space<vmem>>, vector<1x16xf32>,
          %get3A_623 = vector.shape_cast %get3A_622 : vector<1x16xf32> to vector<16xf32>
          %add3A_624 = arith.addi %mul3A_252, %scan3A_614 : i32
          %get3A_625 = arith.constant 0 : i32
          %get3A_626 = arith.constant 0 : i32
          %get3A_627 = tpu.memref_slice %arg6[%scan3A_163, %get3A_625, %get3A_626] : memref<2x400x64xf32, #tpu.memory_space<vmem>> -> memref<1x400x64xf32, #tpu.memory_space<vmem>>
          %get3A_628 = tpu.memref_squeeze %get3A_627 : memref<1x400x64xf32, #tpu.memory_space<vmem>> -> memref<400x64xf32, #tpu.memory_space<vmem>>
          %get3A_629 = arith.index_cast %add3A_624 : i32 to index
          %get3A_630 = arith.constant 16 : index
          %get3A_631 = tpu.vector_load %get3A_628[%get3A_629, %get3A_630] {strides = array<i32>} : memref<400x64xf32, #tpu.memory_space<vmem>>, vector<1x16xf32>,
          %get3A_632 = vector.shape_cast %get3A_631 : vector<1x16xf32> to vector<16xf32>
          %add3A_633 = arith.addi %mul3A_252, %scan3A_614 : i32
          %get3A_634 = arith.constant 0 : i32
          %get3A_635 = arith.constant 0 : i32
          %get3A_636 = tpu.memref_slice %arg6[%scan3A_163, %get3A_634, %get3A_635] : memref<2x400x64xf32, #tpu.memory_space<vmem>> -> memref<1x400x64xf32, #tpu.memory_space<vmem>>
          %get3A_637 = tpu.memref_squeeze %get3A_636 : memref<1x400x64xf32, #tpu.memory_space<vmem>> -> memref<400x64xf32, #tpu.memory_space<vmem>>
          %get3A_638 = arith.index_cast %add3A_633 : i32 to index
          %get3A_639 = arith.constant 32 : index
          %get3A_640 = tpu.vector_load %get3A_637[%get3A_638, %get3A_639] {strides = array<i32>} : memref<400x64xf32, #tpu.memory_space<vmem>>, vector<1x16xf32>,
          %get3A_641 = vector.shape_cast %get3A_640 : vector<1x16xf32> to vector<16xf32>
          %add3A_642 = arith.addi %mul3A_252, %scan3A_614 : i32
          %get3A_643 = arith.constant 0 : i32
          %get3A_644 = arith.constant 0 : i32
          %get3A_645 = tpu.memref_slice %arg6[%scan3A_163, %get3A_643, %get3A_644] : memref<2x400x64xf32, #tpu.memory_space<vmem>> -> memref<1x400x64xf32, #tpu.memory_space<vmem>>
          %get3A_646 = tpu.memref_squeeze %get3A_645 : memref<1x400x64xf32, #tpu.memory_space<vmem>> -> memref<400x64xf32, #tpu.memory_space<vmem>>
          %get3A_647 = arith.index_cast %add3A_642 : i32 to index
          %get3A_648 = arith.constant 48 : index
          %get3A_649 = tpu.vector_load %get3A_646[%get3A_647, %get3A_648] {strides = array<i32>} : memref<400x64xf32, #tpu.memory_space<vmem>>, vector<1x16xf32>,
          %get3A_650 = vector.shape_cast %get3A_649 : vector<1x16xf32> to vector<16xf32>
          %mul3A_651 = arith.mulf %get3A_623, %get3A_623 : vector<16xf32>
          %mul3A_652 = arith.mulf %get3A_632, %get3A_632 : vector<16xf32>
          %add3A_653 = arith.addf %mul3A_651, %mul3A_652 : vector<16xf32>
          %mul3A_654 = arith.mulf %get3A_641, %get3A_641 : vector<16xf32>
          %add3A_655 = arith.addf %add3A_653, %mul3A_654 : vector<16xf32>
          %mul3A_656 = arith.mulf %get3A_650, %get3A_650 : vector<16xf32>
          %add3A_657 = arith.addf %add3A_655, %mul3A_656 : vector<16xf32>
          %iota3A_658 = tpu.iota {dimensions = array<i32: 0>} : vector<16xi32>
          %xor3A_659 = arith.constant 1 : i32
          %xor3A_660 = vector.broadcast %xor3A_659 : i32 to vector<16xi32>
          %xor3A_661 = arith.xori %iota3A_658, %xor3A_660 : vector<16xi32>
          %broadcast_in_dim3A_662 = vector.shape_cast %xor3A_661 : vector<16xi32> to vector<16x1xi32>
          %gather3A_663 = vector.shape_cast %broadcast_in_dim3A_662 : vector<16x1xi32> to vector<16xi32>
          %gather3A_664 = tpu.dynamic_gather %add3A_657[%gather3A_663] in [0] : vector<16xf32>, vector<16xi32> -> vector<16xf32>
          %add3A_665 = arith.addf %add3A_657, %gather3A_664 : vector<16xf32>
          %xor3A_666 = arith.constant 2 : i32
          %xor3A_667 = vector.broadcast %xor3A_666 : i32 to vector<16xi32>
          %xor3A_668 = arith.xori %iota3A_658, %xor3A_667 : vector<16xi32>
          %broadcast_in_dim3A_669 = vector.shape_cast %xor3A_668 : vector<16xi32> to vector<16x1xi32>
          %gather3A_670 = vector.shape_cast %broadcast_in_dim3A_669 : vector<16x1xi32> to vector<16xi32>
          %gather3A_671 = tpu.dynamic_gather %add3A_665[%gather3A_670] in [0] : vector<16xf32>, vector<16xi32> -> vector<16xf32>
          %add3A_672 = arith.addf %add3A_665, %gather3A_671 : vector<16xf32>
          %xor3A_673 = arith.constant 4 : i32
          %xor3A_674 = vector.broadcast %xor3A_673 : i32 to vector<16xi32>
          %xor3A_675 = arith.xori %iota3A_658, %xor3A_674 : vector<16xi32>
          %broadcast_in_dim3A_676 = vector.shape_cast %xor3A_675 : vector<16xi32> to vector<16x1xi32>
          %gather3A_677 = vector.shape_cast %broadcast_in_dim3A_676 : vector<16x1xi32> to vector<16xi32>
          %gather3A_678 = tpu.dynamic_gather %add3A_672[%gather3A_677] in [0] : vector<16xf32>, vector<16xi32> -> vector<16xf32>
          %add3A_679 = arith.addf %add3A_672, %gather3A_678 : vector<16xf32>
          %xor3A_680 = arith.constant 8 : i32
          %xor3A_681 = vector.broadcast %xor3A_680 : i32 to vector<16xi32>
          %xor3A_682 = arith.xori %iota3A_658, %xor3A_681 : vector<16xi32>
          %broadcast_in_dim3A_683 = vector.shape_cast %xor3A_682 : vector<16xi32> to vector<16x1xi32>
          %gather3A_684 = vector.shape_cast %broadcast_in_dim3A_683 : vector<16x1xi32> to vector<16xi32>
          %gather3A_685 = tpu.dynamic_gather %add3A_679[%gather3A_684] in [0] : vector<16xf32>, vector<16xi32> -> vector<16xf32>
          %add3A_686 = arith.addf %add3A_679, %gather3A_685 : vector<16xf32>
          %max3A_687 = arith.constant 1.000000e+00 : f32
          %max3A_688 = vector.broadcast %max3A_687 : f32 to vector<16xf32>
          %max3A_689 = arith.maximumf %add3A_686, %max3A_688 : vector<16xf32>
          %bitcast_convert_type3A_690 = tpu.bitcast %max3A_689 : vector<16xf32> -> vector<16xi32>
          %shift_right_arithmetic3A_691 = arith.constant 1 : i32
          %shift_right_arithmetic3A_692 = vector.broadcast %shift_right_arithmetic3A_691 : i32 to vector<16xi32>
          %shift_right_arithmetic3A_693 = arith.shrsi %bitcast_convert_type3A_690, %shift_right_arithmetic3A_692 : vector<16xi32>
          %sub3A_694 = arith.constant 1597463174 : i32
          %sub3A_695 = vector.broadcast %sub3A_694 : i32 to vector<16xi32>
          %sub3A_696 = arith.subi %sub3A_695, %shift_right_arithmetic3A_693 : vector<16xi32>
          %bitcast_convert_type3A_697 = tpu.bitcast %sub3A_696 : vector<16xi32> -> vector<16xf32>
          %mul3A_698 = arith.constant -5.000000e-01 : f32
          %mul3A_699 = vector.broadcast %mul3A_698 : f32 to vector<16xf32>
          %mul3A_700 = arith.mulf %mul3A_699, %max3A_689 : vector<16xf32>
          %mul3A_701 = arith.mulf %mul3A_700, %bitcast_convert_type3A_697 : vector<16xf32>
          %mul3A_702 = arith.mulf %mul3A_701, %bitcast_convert_type3A_697 : vector<16xf32>
          %add3A_703 = arith.constant 1.500000e+00 : f32
          %add3A_704 = vector.broadcast %add3A_703 : f32 to vector<16xf32>
          %add3A_705 = arith.addf %add3A_704, %mul3A_702 : vector<16xf32>
          %mul3A_706 = arith.mulf %bitcast_convert_type3A_697, %add3A_705 : vector<16xf32>
          %mul3A_707 = arith.constant 1.000000e+01 : f32
          %mul3A_708 = vector.broadcast %mul3A_707 : f32 to vector<16xf32>
          %mul3A_709 = arith.mulf %mul3A_708, %mul3A_706 : vector<16xf32>
          %min3A_710 = arith.constant 1.000000e+00 : f32
          %min3A_711 = vector.broadcast %min3A_710 : f32 to vector<16xf32>
          %min3A_712 = arith.minimumf %min3A_711, %mul3A_709 : vector<16xf32>
          %mul3A_713 = arith.mulf %get3A_623, %min3A_712 : vector<16xf32>
          %add3A_714 = arith.addf %add3A_606, %mul3A_713 : vector<16xf32>
          %mul3A_715 = arith.mulf %get3A_632, %min3A_712 : vector<16xf32>
          %add3A_716 = arith.addf %add3A_608, %mul3A_715 : vector<16xf32>
          %mul3A_717 = arith.mulf %get3A_641, %min3A_712 : vector<16xf32>
          %add3A_718 = arith.addf %add3A_610, %mul3A_717 : vector<16xf32>
          %mul3A_719 = arith.mulf %get3A_650, %min3A_712 : vector<16xf32>
          %add3A_720 = arith.addf %add3A_612, %mul3A_719 : vector<16xf32>
          %scan3A_721 = arith.constant 4 : i32
          %scan3A_722 = arith.addi %scan3A_289, %scan3A_721 : i32
          %add3A_723 = arith.addi %mul3A_252, %scan3A_722 : i32
          %get3A_724 = arith.constant 0 : i32
          %get3A_725 = arith.constant 0 : i32
          %get3A_726 = tpu.memref_slice %arg6[%scan3A_163, %get3A_724, %get3A_725] : memref<2x400x64xf32, #tpu.memory_space<vmem>> -> memref<1x400x64xf32, #tpu.memory_space<vmem>>
          %get3A_727 = tpu.memref_squeeze %get3A_726 : memref<1x400x64xf32, #tpu.memory_space<vmem>> -> memref<400x64xf32, #tpu.memory_space<vmem>>
          %get3A_728 = arith.index_cast %add3A_723 : i32 to index
          %get3A_729 = arith.constant 0 : index
          %get3A_730 = tpu.vector_load %get3A_727[%get3A_728, %get3A_729] {strides = array<i32>} : memref<400x64xf32, #tpu.memory_space<vmem>>, vector<1x16xf32>,
          %get3A_731 = vector.shape_cast %get3A_730 : vector<1x16xf32> to vector<16xf32>
          %add3A_732 = arith.addi %mul3A_252, %scan3A_722 : i32
          %get3A_733 = arith.constant 0 : i32
          %get3A_734 = arith.constant 0 : i32
          %get3A_735 = tpu.memref_slice %arg6[%scan3A_163, %get3A_733, %get3A_734] : memref<2x400x64xf32, #tpu.memory_space<vmem>> -> memref<1x400x64xf32, #tpu.memory_space<vmem>>
          %get3A_736 = tpu.memref_squeeze %get3A_735 : memref<1x400x64xf32, #tpu.memory_space<vmem>> -> memref<400x64xf32, #tpu.memory_space<vmem>>
          %get3A_737 = arith.index_cast %add3A_732 : i32 to index
          %get3A_738 = arith.constant 16 : index
          %get3A_739 = tpu.vector_load %get3A_736[%get3A_737, %get3A_738] {strides = array<i32>} : memref<400x64xf32, #tpu.memory_space<vmem>>, vector<1x16xf32>,
          %get3A_740 = vector.shape_cast %get3A_739 : vector<1x16xf32> to vector<16xf32>
          %add3A_741 = arith.addi %mul3A_252, %scan3A_722 : i32
          %get3A_742 = arith.constant 0 : i32
          %get3A_743 = arith.constant 0 : i32
          %get3A_744 = tpu.memref_slice %arg6[%scan3A_163, %get3A_742, %get3A_743] : memref<2x400x64xf32, #tpu.memory_space<vmem>> -> memref<1x400x64xf32, #tpu.memory_space<vmem>>
          %get3A_745 = tpu.memref_squeeze %get3A_744 : memref<1x400x64xf32, #tpu.memory_space<vmem>> -> memref<400x64xf32, #tpu.memory_space<vmem>>
          %get3A_746 = arith.index_cast %add3A_741 : i32 to index
          %get3A_747 = arith.constant 32 : index
          %get3A_748 = tpu.vector_load %get3A_745[%get3A_746, %get3A_747] {strides = array<i32>} : memref<400x64xf32, #tpu.memory_space<vmem>>, vector<1x16xf32>,
          %get3A_749 = vector.shape_cast %get3A_748 : vector<1x16xf32> to vector<16xf32>
          %add3A_750 = arith.addi %mul3A_252, %scan3A_722 : i32
          %get3A_751 = arith.constant 0 : i32
          %get3A_752 = arith.constant 0 : i32
          %get3A_753 = tpu.memref_slice %arg6[%scan3A_163, %get3A_751, %get3A_752] : memref<2x400x64xf32, #tpu.memory_space<vmem>> -> memref<1x400x64xf32, #tpu.memory_space<vmem>>
          %get3A_754 = tpu.memref_squeeze %get3A_753 : memref<1x400x64xf32, #tpu.memory_space<vmem>> -> memref<400x64xf32, #tpu.memory_space<vmem>>
          %get3A_755 = arith.index_cast %add3A_750 : i32 to index
          %get3A_756 = arith.constant 48 : index
          %get3A_757 = tpu.vector_load %get3A_754[%get3A_755, %get3A_756] {strides = array<i32>} : memref<400x64xf32, #tpu.memory_space<vmem>>, vector<1x16xf32>,
          %get3A_758 = vector.shape_cast %get3A_757 : vector<1x16xf32> to vector<16xf32>
          %mul3A_759 = arith.mulf %get3A_731, %get3A_731 : vector<16xf32>
          %mul3A_760 = arith.mulf %get3A_740, %get3A_740 : vector<16xf32>
          %add3A_761 = arith.addf %mul3A_759, %mul3A_760 : vector<16xf32>
          %mul3A_762 = arith.mulf %get3A_749, %get3A_749 : vector<16xf32>
          %add3A_763 = arith.addf %add3A_761, %mul3A_762 : vector<16xf32>
          %mul3A_764 = arith.mulf %get3A_758, %get3A_758 : vector<16xf32>
          %add3A_765 = arith.addf %add3A_763, %mul3A_764 : vector<16xf32>
          %iota3A_766 = tpu.iota {dimensions = array<i32: 0>} : vector<16xi32>
          %xor3A_767 = arith.constant 1 : i32
          %xor3A_768 = vector.broadcast %xor3A_767 : i32 to vector<16xi32>
          %xor3A_769 = arith.xori %iota3A_766, %xor3A_768 : vector<16xi32>
          %broadcast_in_dim3A_770 = vector.shape_cast %xor3A_769 : vector<16xi32> to vector<16x1xi32>
          %gather3A_771 = vector.shape_cast %broadcast_in_dim3A_770 : vector<16x1xi32> to vector<16xi32>
          %gather3A_772 = tpu.dynamic_gather %add3A_765[%gather3A_771] in [0] : vector<16xf32>, vector<16xi32> -> vector<16xf32>
          %add3A_773 = arith.addf %add3A_765, %gather3A_772 : vector<16xf32>
          %xor3A_774 = arith.constant 2 : i32
          %xor3A_775 = vector.broadcast %xor3A_774 : i32 to vector<16xi32>
          %xor3A_776 = arith.xori %iota3A_766, %xor3A_775 : vector<16xi32>
          %broadcast_in_dim3A_777 = vector.shape_cast %xor3A_776 : vector<16xi32> to vector<16x1xi32>
          %gather3A_778 = vector.shape_cast %broadcast_in_dim3A_777 : vector<16x1xi32> to vector<16xi32>
          %gather3A_779 = tpu.dynamic_gather %add3A_773[%gather3A_778] in [0] : vector<16xf32>, vector<16xi32> -> vector<16xf32>
          %add3A_780 = arith.addf %add3A_773, %gather3A_779 : vector<16xf32>
          %xor3A_781 = arith.constant 4 : i32
          %xor3A_782 = vector.broadcast %xor3A_781 : i32 to vector<16xi32>
          %xor3A_783 = arith.xori %iota3A_766, %xor3A_782 : vector<16xi32>
          %broadcast_in_dim3A_784 = vector.shape_cast %xor3A_783 : vector<16xi32> to vector<16x1xi32>
          %gather3A_785 = vector.shape_cast %broadcast_in_dim3A_784 : vector<16x1xi32> to vector<16xi32>
          %gather3A_786 = tpu.dynamic_gather %add3A_780[%gather3A_785] in [0] : vector<16xf32>, vector<16xi32> -> vector<16xf32>
          %add3A_787 = arith.addf %add3A_780, %gather3A_786 : vector<16xf32>
          %xor3A_788 = arith.constant 8 : i32
          %xor3A_789 = vector.broadcast %xor3A_788 : i32 to vector<16xi32>
          %xor3A_790 = arith.xori %iota3A_766, %xor3A_789 : vector<16xi32>
          %broadcast_in_dim3A_791 = vector.shape_cast %xor3A_790 : vector<16xi32> to vector<16x1xi32>
          %gather3A_792 = vector.shape_cast %broadcast_in_dim3A_791 : vector<16x1xi32> to vector<16xi32>
          %gather3A_793 = tpu.dynamic_gather %add3A_787[%gather3A_792] in [0] : vector<16xf32>, vector<16xi32> -> vector<16xf32>
          %add3A_794 = arith.addf %add3A_787, %gather3A_793 : vector<16xf32>
          %max3A_795 = arith.constant 1.000000e+00 : f32
          %max3A_796 = vector.broadcast %max3A_795 : f32 to vector<16xf32>
          %max3A_797 = arith.maximumf %add3A_794, %max3A_796 : vector<16xf32>
          %bitcast_convert_type3A_798 = tpu.bitcast %max3A_797 : vector<16xf32> -> vector<16xi32>
          %shift_right_arithmetic3A_799 = arith.constant 1 : i32
          %shift_right_arithmetic3A_800 = vector.broadcast %shift_right_arithmetic3A_799 : i32 to vector<16xi32>
          %shift_right_arithmetic3A_801 = arith.shrsi %bitcast_convert_type3A_798, %shift_right_arithmetic3A_800 : vector<16xi32>
          %sub3A_802 = arith.constant 1597463174 : i32
          %sub3A_803 = vector.broadcast %sub3A_802 : i32 to vector<16xi32>
          %sub3A_804 = arith.subi %sub3A_803, %shift_right_arithmetic3A_801 : vector<16xi32>
          %bitcast_convert_type3A_805 = tpu.bitcast %sub3A_804 : vector<16xi32> -> vector<16xf32>
          %mul3A_806 = arith.constant -5.000000e-01 : f32
          %mul3A_807 = vector.broadcast %mul3A_806 : f32 to vector<16xf32>
          %mul3A_808 = arith.mulf %mul3A_807, %max3A_797 : vector<16xf32>
          %mul3A_809 = arith.mulf %mul3A_808, %bitcast_convert_type3A_805 : vector<16xf32>
          %mul3A_810 = arith.mulf %mul3A_809, %bitcast_convert_type3A_805 : vector<16xf32>
          %add3A_811 = arith.constant 1.500000e+00 : f32
          %add3A_812 = vector.broadcast %add3A_811 : f32 to vector<16xf32>
          %add3A_813 = arith.addf %add3A_812, %mul3A_810 : vector<16xf32>
          %mul3A_814 = arith.mulf %bitcast_convert_type3A_805, %add3A_813 : vector<16xf32>
          %mul3A_815 = arith.constant 1.000000e+01 : f32
          %mul3A_816 = vector.broadcast %mul3A_815 : f32 to vector<16xf32>
          %mul3A_817 = arith.mulf %mul3A_816, %mul3A_814 : vector<16xf32>
          %min3A_818 = arith.constant 1.000000e+00 : f32
          %min3A_819 = vector.broadcast %min3A_818 : f32 to vector<16xf32>
          %min3A_820 = arith.minimumf %min3A_819, %mul3A_817 : vector<16xf32>
          %mul3A_821 = arith.mulf %get3A_731, %min3A_820 : vector<16xf32>
          %add3A_822 = arith.addf %add3A_714, %mul3A_821 : vector<16xf32>
          %mul3A_823 = arith.mulf %get3A_740, %min3A_820 : vector<16xf32>
          %add3A_824 = arith.addf %add3A_716, %mul3A_823 : vector<16xf32>
          %mul3A_825 = arith.mulf %get3A_749, %min3A_820 : vector<16xf32>
          %add3A_826 = arith.addf %add3A_718, %mul3A_825 : vector<16xf32>
          %mul3A_827 = arith.mulf %get3A_758, %min3A_820 : vector<16xf32>
          %add3A_828 = arith.addf %add3A_720, %mul3A_827 : vector<16xf32>
          scf.yield %add3A_822, %add3A_824, %add3A_826, %add3A_828 : vector<16xf32>, vector<16xf32>, vector<16xf32>, vector<16xf32>
        }
        %scan3A_260 = arith.constant 50 : i32
        %max3A = arith.constant 9.99999968E-21 : f32
        %max3A_261 = vector.broadcast %max3A : f32 to vector<16xf32>
        %max3A_262 = arith.maximumf %add3A_250, %max3A_261 : vector<16xf32>
        %div3A_263 = arith.constant 1.000000e+00 : f32
        %div3A_264 = vector.broadcast %div3A_263 : f32 to vector<16xf32>
        %div3A_265 = arith.divf %div3A_264, %max3A_262 : vector<16xf32>
        %mul3A_266 = arith.mulf %scan3A_259#0, %div3A_265 : vector<16xf32>
        %swap3A = arith.index_cast %add3A_172 : i32 to index
        %swap3A_267 = arith.constant 0 : index
        %swap3A_268 = tpu.vector_load %arg7[%swap3A, %swap3A_267] {strides = array<i32>} : memref<256x64xf32, #tpu.memory_space<vmem>>, vector<1x16xf32>,
        %swap3A_269 = vector.shape_cast %swap3A_268 : vector<1x16xf32> to vector<16xf32>
        %swap3A_270 = vector.shape_cast %mul3A_266 : vector<16xf32> to vector<1x16xf32>
        tpu.vector_store %arg7[%swap3A, %swap3A_267], %swap3A_270 {strides = array<i32>} : memref<256x64xf32, #tpu.memory_space<vmem>>, vector<1x16xf32>,
        %mul3A_271 = arith.mulf %scan3A_259#1, %div3A_265 : vector<16xf32>
        %swap3A_272 = arith.index_cast %add3A_172 : i32 to index
        %swap3A_273 = arith.constant 16 : index
        %swap3A_274 = tpu.vector_load %arg7[%swap3A_272, %swap3A_273] {strides = array<i32>} : memref<256x64xf32, #tpu.memory_space<vmem>>, vector<1x16xf32>,
        %swap3A_275 = vector.shape_cast %swap3A_274 : vector<1x16xf32> to vector<16xf32>
        %swap3A_276 = vector.shape_cast %mul3A_271 : vector<16xf32> to vector<1x16xf32>
        tpu.vector_store %arg7[%swap3A_272, %swap3A_273], %swap3A_276 {strides = array<i32>} : memref<256x64xf32, #tpu.memory_space<vmem>>, vector<1x16xf32>,
        %mul3A_277 = arith.mulf %scan3A_259#2, %div3A_265 : vector<16xf32>
        %swap3A_278 = arith.index_cast %add3A_172 : i32 to index
        %swap3A_279 = arith.constant 32 : index
        %swap3A_280 = tpu.vector_load %arg7[%swap3A_278, %swap3A_279] {strides = array<i32>} : memref<256x64xf32, #tpu.memory_space<vmem>>, vector<1x16xf32>,
        %swap3A_281 = vector.shape_cast %swap3A_280 : vector<1x16xf32> to vector<16xf32>
        %swap3A_282 = vector.shape_cast %mul3A_277 : vector<16xf32> to vector<1x16xf32>
        tpu.vector_store %arg7[%swap3A_278, %swap3A_279], %swap3A_282 {strides = array<i32>} : memref<256x64xf32, #tpu.memory_space<vmem>>, vector<1x16xf32>,
        %mul3A_283 = arith.mulf %scan3A_259#3, %div3A_265 : vector<16xf32>
        %swap3A_284 = arith.index_cast %add3A_172 : i32 to index
        %swap3A_285 = arith.constant 48 : index
        %swap3A_286 = tpu.vector_load %arg7[%swap3A_284, %swap3A_285] {strides = array<i32>} : memref<256x64xf32, #tpu.memory_space<vmem>>, vector<1x16xf32>,
        %swap3A_287 = vector.shape_cast %swap3A_286 : vector<1x16xf32> to vector<16xf32>
        %swap3A_288 = vector.shape_cast %mul3A_283 : vector<16xf32> to vector<1x16xf32>
        tpu.vector_store %arg7[%swap3A_284, %swap3A_285], %swap3A_288 {strides = array<i32>} : memref<256x64xf32, #tpu.memory_space<vmem>>, vector<1x16xf32>,
      }
      %scan3A_168 = arith.constant 8 : i32
    }
    %scan3A_56 = arith.constant 16 : i32
    "tpu.region"() ({
      %run_scoped3A = tpu.sem_alloc : memref<!tpu.dma_semaphore, #tpu.memory_space<semaphore_mem>>
      %dma_start3A_57 = arith.constant 0 : i32
      %dma_start3A_58 = tpu.memref_slice %arg4[%mul3A_2, %dma_start3A_57] : memref<8192x64xf32, #tpu.memory_space<hbm>> -> memref<256x64xf32, #tpu.memory_space<hbm>>
      %dma_start3A_59 = arith.constant 0 : i32
      %dma_start3A_60 = tpu.memref_slice %arg4[%mul3A_2, %dma_start3A_59] : memref<8192x64xf32, #tpu.memory_space<hbm>> -> memref<256x64xf32, #tpu.memory_space<hbm>>
      tpu.enqueue_dma source(%arg7 : memref<256x64xf32, #tpu.memory_space<vmem>>) target(%dma_start3A_60 : memref<256x64xf32, #tpu.memory_space<hbm>>) target_semaphore(%run_scoped3A : memref<!tpu.dma_semaphore, #tpu.memory_space<semaphore_mem>>)
      %dma_wait3A = arith.constant 0 : i32
      %dma_wait3A_61 = tpu.memref_slice %arg4[%mul3A_2, %dma_wait3A] : memref<8192x64xf32, #tpu.memory_space<hbm>> -> memref<256x64xf32, #tpu.memory_space<hbm>>
      %dma_wait3A_62 = arith.constant 0 : i32
      %dma_wait3A_63 = tpu.memref_slice %arg4[%mul3A_2, %dma_wait3A_62] : memref<8192x64xf32, #tpu.memory_space<hbm>> -> memref<256x64xf32, #tpu.memory_space<hbm>>
      tpu.wait_dma2 semaphore(%run_scoped3A : memref<!tpu.dma_semaphore, #tpu.memory_space<semaphore_mem>>) src(%arg7 : memref<256x64xf32, #tpu.memory_space<vmem>>) dst(%dma_wait3A_63 : memref<256x64xf32, #tpu.memory_space<hbm>>)
      tpu.yield
    }) : () -> ()
    return
  }
}

</mosaic_0001>

<sc_bundles>
// kernel: kernel.3.cloned.1.call-start
scs
__scs_entry_jumppad:
0x0: {  	(pc) =	sbr.rel $0x88, $3  }
0x1: {  	(tag) =	ssettag $0x0;
	lr =	simm.s32 $0x1  }
0x2: {  	[smem:$0x3F9E] =	sst lr;
	_ =	strace $0xD0000000  }
0x3: {  	_ = 	snop  }
0x4: {  	_ = 	snop  }
0x5: {  	_ = 	snop  }
0x6: {  	_ = 	snop  }
0x7: {  	_ = 	snop  }
__scs_overlays_trampoline_lowered:
0x8: {  	[smem:$0x3FAD] =	sst s0  }
0x9: {  	[smem:$0x3FAE] =	sst s1  }
0xa: {  	[smem:$0x3FAF] =	sst s2  }
0xb: {  	[smem:$0x3FB0] =	sst s3  }
0xc: {  	[smem:$0x3FB1] =	sst s4  }
0xd: {  	[smem:$0x3FB2] =	sst s5  }
0xe: {  	[smem:$0x3FB3] =	sst s6  }
0xf: {  	[smem:$0x3FB4] =	sst s7  }
0x10: {  	[smem:$0x3FB5] =	sst s8  }
0x11: {  	[smem:$0x3FB6] =	sst s9;
	s0 =	simm.s32 @!p0 $0x0  }
0x12: {  	s1 =	sld [smem:$0x3F9C];
	s0 =	simm.s32 @p0 $0x1  }
0x13: {  	[smem:$0x3FB7] =	sst s0;
	s0 =	simm.s32 @!p1 $0x0  }
0x14: {  	s2 =	sld [smem:$0x3F9B];
	s0 =	simm.s32 @p1 $0x1  }
0x15: {  	[smem:$0x3FB8] =	sst s0;
	s0 =	simm.s32 @!p2 $0x0  }
0x16: {  	s3 =	sld [smem:$0x3FDB];
	s0 =	simm.s32 @p2 $0x1  }
0x17: {  	s4 =	simm.s32 $0x1BF5;
	[smem:$0x3FBA] =	sst s0  }
0x18: {  	s0 =	sld [smem:$0x3F9D];
	_ =	swait.ge [sflag:s4], $0x0  }
0x19: {  	s7 =	sld [smem:$0x3F9E]  }
0x1a: {  	s8 =	sadd.s32 $0xFFFFE003, lr  }
0x1b: {  	s9 =	sadd.s32 $0xFFFFFEF7, lr;
	s5 =	simm.s32 $0xFFFFFFFF;
	p2 =	slt.u32 s8, $0xFFFFF086  }
0x1c: {  	p1 =	slt.u32 s9, $0xF7A;
	s5 =	simm.s32 @!p2 $0x0  }
0x1d: {  	s5 =	simm.s32 @p1 $0x1;
	p0 =	seq.s32 s7, s2  }
0x1e: {  	s7 =	smul.u32 @!p0 $0xF7A, s2;
	p2 =	seq.s32 @!p0 s5, $0x0  }
0x1f: {  	s9 =	smul.u32 $0xF7A, s1;
	s8 =	simm.s32 @!p0 $0x1BF5;
	p2 =	por !p2, p0  }
0x20: {  	[sflag:s8] =	ssyncset.s32 @!p0 $0xFFFFF086;
	s6 =	sadd.s32 @!p0 s3, s7;
	s7 =	simm.s32 @!p0 $0x108  }
0x21: {  	s3 =	sadd.s32 s3, s9;
	s6 =	sadd.s32 @!p0 $0x88, s6;
	s7 =	simm.s32 @p2 $0x1082  }
0x22: {  	[simem:s7], [sflag:s8] =	dma.local @!p0 [hbm:s6], $0xF7A  }
0x23: {  	s9 =	sor.u32 $0xD0000000, s2;
	s6 =	simm.s32 $0x108;
	_ =	swait.ge @!p0 [sflag:s8], $0x0  }
0x24: {  	s3 =	sadd.s32 $0x88, s3;
	s6 =	simm.s32 @!p1 $0x1082;
	[sflag:s4] =	ssyncset.s32 $0xFFFFF086  }
0x25: {  	[simem:s6], [sflag:s4] =	dma.local [hbm:s3], $0xF7A  }
0x26: {  	[smem:$0x3F9E] =	sst s1;
	(tag) =	ssettag s2;
	_ =	strace s9  }
0x27: {  	s1 =	sld [smem:$0x3FAE]  }
0x28: {  	s2 =	sld [smem:$0x3FAF]  }
0x29: {  	s4 =	sld [smem:$0x3FB1]  }
0x2a: {  	p0 =	seq.s32 s5, $0x0;
	s5 =	sld [smem:$0x3FB2]  }
0x2b: {  	s6 =	sld [smem:$0x3FB3]  }
0x2c: {  	s7 =	sld [smem:$0x3FB4]  }
0x2d: {  	s3 =	simm.s32 $0x108;
	s8 =	sld [smem:$0x3FB5]  }
0x2e: {  	s3 =	simm.s32 @!p0 $0x1082;
	s9 =	sld [smem:$0x3FB6]  }
0x2f: {  	lr =	sadd.s32 s0, s3;
	s0 =	sld [smem:$0x3FAD]  }
0x30: {  	s3 =	sld [smem:$0x3FB0]  }
0x31: {  	[smem:$0x3FB9] =	sst s10  }
0x32: {  	s10 =	sld [smem:$0x3FB7];
	_ =	sdelay $0x3  }
0x33: {  	p0 =	seq.s32 s10, $0x1;
	s10 =	sld [smem:$0x3FB9];
	_ =	sdelay $0x3  }
0x34: {  	[smem:$0x3FB9] =	sst s10  }
0x35: {  	s10 =	sld [smem:$0x3FB8];
	_ =	sdelay $0x3  }
0x36: {  	p1 =	seq.s32 s10, $0x1;
	s10 =	sld [smem:$0x3FB9];
	_ =	sdelay $0x3  }
0x37: {  	[smem:$0x3FB9] =	sst s10  }
0x38: {  	s10 =	sld [smem:$0x3FBA]  }
0x39: {  	_ = 	snop;
	(pc) =	sbr.ind lr, $3  }
0x3a: {  	_ = 	snop  }
0x3b: {  	_ = 	snop  }
0x3c: {  	p2 =	seq.s32 s10, $0x1;
	s10 =	sld [smem:$0x3FB9]  }
0x3d: {  	_ =	shalt  }
0x3e: {  	_ =	shalt  }
0x3f: {  	_ =	shalt  }
0x40: {  	_ =	shalt  }
0x41: {  	_ =	shalt  }
0x42: {  	_ =	shalt  }
0x43: {  	_ =	shalt  }
0x44: {  	_ =	shalt  }
0x45: {  	_ =	shalt  }
0x46: {  	_ =	shalt  }
0x47: {  	_ =	shalt  }
0x48: {  	_ =	shalt  }
0x49: {  	_ =	shalt  }
0x4a: {  	_ =	shalt  }
0x4b: {  	_ =	shalt  }
0x4c: {  	_ =	shalt  }
0x4d: {  	_ =	shalt  }
0x4e: {  	_ =	shalt  }
0x4f: {  	_ =	shalt  }
0x50: {  	_ =	shalt  }
0x51: {  	_ =	shalt  }
0x52: {  	_ =	shalt  }
0x53: {  	_ =	shalt  }
0x54: {  	_ =	shalt  }
0x55: {  	_ =	shalt  }
0x56: {  	_ =	shalt  }
0x57: {  	_ =	shalt  }
0x58: {  	_ =	shalt  }
0x59: {  	_ =	shalt  }
0x5a: {  	_ =	shalt  }
0x5b: {  	_ =	shalt  }
0x5c: {  	_ =	shalt  }
0x5d: {  	_ =	shalt  }
0x5e: {  	_ =	shalt  }
0x5f: {  	_ =	shalt  }
0x60: {  	_ =	shalt  }
0x61: {  	_ =	shalt  }
0x62: {  	_ =	shalt  }
0x63: {  	_ =	shalt  }
0x64: {  	_ =	shalt  }
0x65: {  	_ =	shalt  }
0x66: {  	_ =	shalt  }
0x67: {  	_ =	shalt  }
0x68: {  	_ =	shalt  }
0x69: {  	_ =	shalt  }
0x6a: {  	_ =	shalt  }
0x6b: {  	_ =	shalt  }
0x6c: {  	_ =	shalt  }
0x6d: {  	_ =	shalt  }
0x6e: {  	_ =	shalt  }
0x6f: {  	_ =	shalt  }
0x70: {  	_ =	shalt  }
0x71: {  	_ =	shalt  }
0x72: {  	_ =	shalt  }
0x73: {  	_ =	shalt  }
0x74: {  	_ =	shalt  }
0x75: {  	_ =	shalt  }
0x76: {  	_ =	shalt  }
0x77: {  	_ =	shalt  }
0x78: {  	_ =	shalt  }
0x79: {  	_ =	shalt  }
0x7a: {  	_ =	shalt  }
0x7b: {  	_ =	shalt  }
0x7c: {  	_ =	shalt  }
0x7d: {  	_ =	shalt  }
0x7e: {  	_ =	shalt  }
0x7f: {  	_ =	shalt  }
0x80: {  	_ =	shalt  }
0x81: {  	_ =	shalt  }
0x82: {  	_ =	shalt  }
0x83: {  	_ =	shalt  }
0x84: {  	_ =	shalt  }
0x85: {  	_ =	shalt  }
0x86: {  	_ =	shalt  }
0x87: {  	_ =	shalt  }
.Lfunc_end0:
.L_simem_size_0:
called_computation_lowered:
.L_overlay_start_0:
0x88: {  	s2 =	sld [smem:$0x3FD9]  }
0x89: {  	s3 =	sld [smem:$0x3FFE];
	_ =	sdelay $0x1  }
0x8a: {  	s1 =	srdreg.scid  }
0x8b: {  	s0 =	sand.u32 $0x1, s1  }
0x8c: {  	s16 =	sshll.u32 s0, $0xA;
	s2 =	sadd.s32 s3, s2  }
0x8d: {  	s2 =	sadd.s32 s2, s16  }
0x8e: {  	[smem:$0x3FC5] =	sst s2  }
0x8f: {  	_ = 	snop  }
0x90: {  	(tm) =	ssettm $0x1  }
0x91: {  	s17 =	sld [smem:$0x3FFB];
	_ =	sdelay $0x3  }
0x92: {  	_ =	strace s17  }
0x93: {  	s2 =	sld [smem:$0x3FFC];
	_ =	sdelay $0x3  }
0x94: {  	_ =	strace s2  }
0x95: {  	s2 =	sld [smem:$0x3FFD];
	_ =	sdelay $0x3  }
0x96: {  	_ =	strace s2  }
0x97: {  	_ =	strace $0x8FFFFFFF  }
0x98: {  	s18 =	sld [smem:$0x3FDB];
	_ =	sdelay $0x1  }
0x99: {  	s19 =	simm.s32 $_scs_section_size  }
0x9a: {  	s4 =	simm.s32 $_size__tile_overlayer_lowered;
	s5 =	simm.s32 $_tile_overlayer_lowered  }
0x9b: {  	s22 =	simm.s32 $0x1BFF;
	s21 =	sshll.u32 s5, $0x1;
	s2 =	sadd.s32 s19, s18  }
0x9c: {  	s6 =	simm.s32 $0x0;
	s20 =	sshll.u32 s4, $0x1;
	s4 =	sadd.s32 s21, s2  }
0x9d: {  	[timem:s6], [sflag:s22] =	dma.local [hbm:s4], s20  }
0x9e: {  	_ =	swait.ge [sflag:s22], s20  }
0x9f: {  	s3 =	ssub.s32 $0x0, s20;
	[sflag:s22] =	ssyncset.done $0x0  }
0xa0: {  	[sflag:s22] =	ssyncadd.s32 s3;
	_ =	sdelay $0x1  }
0xa1: {  	s23 =	simm.s32 $0x1B8B  }
0xa2: {  	_ =	swait.ge [sflag:s23], $0x1  }
0xa3: {  	[sflag:s23] =	ssyncset.done $0x0  }
0xa4: {  	s25 =	simm.s32 $0x1B8E;
	s24 =	sld [smem:$0x3FFE];
	[sflag:s23] =	ssyncadd.s32 $0xFFFFFFFF  }
0xa5: {  	s26 =	simm.s32 $execute0_lowered;
	[smem:$0x3FD2] =	sst s25  }
0xa6: {  	s4 =	sshll.u32 s26, $0x1;
	_ =	strace $0x80000046;
	[dreg:$0x1] =	wrdreg $0xFFFFFFFF  }
0xa7: {  	s28 =	simm.s32 $_size_execute0_lowered;
	s2 =	sadd.s32 s2, s4;
	[dreg:$0x0] =	wrdreg $0x0  }
0xa8: {  	s4 =	sshll.u32 s28, $0x1;
	[dreg:$0x2] =	wrdreg s2  }
0xa9: {  	[dreg:$0x3] =	wrdreg s4  }
0xaa: {  	[dreg:$0x4] =	wrdreg $0xC0  }
0xab: {  	_ =	task [dreg:s6], $0x5FFFF  }
0xac: {  	[dreg:$0x1] =	wrdreg $0xFFFFFFFF  }
0xad: {  	[dreg:$0x0] =	wrdreg $0x60  }
0xae: {  	[dreg:$0x2] =	wrdreg s24  }
0xaf: {  	[dreg:$0x3] =	wrdreg $0x9  }
0xb0: {  	_ =	task.clear_ibuf [dreg:s6], $0x4FFFF;
	_ =	strace $0x90000046  }
0xb1: {  	s29 =	simm.s32 $0x9;
	_ =	strace $0x80000048  }
0xb2: {  	_ =	swait.ge [sflag:s29], $0x1  }
0xb3: {  	[sflag:s29] =	ssyncadd.s32 $0xFFFFFFFF  }
0xb4: {  	_ =	strace $0x90000048  }
0xb5: {  	_ =	sfence  }
0xb6: {  	s30 =	sld [smem:$0x0];
	_ =	sdelay $0x2  }
0xb7: {  	s31 =	sshll.u32 s1, $0xD;
	s1 =	sshrl.u32 s1, $0x2  }
0xb8: {  	s3 =	sand.u32 $0x4000, s31;
	s1 =	sadd.s32 s1, s30  }
0xb9: {  	s0 =	sor.u32 s3, s0;
	s1 =	sshll.u32 s1, $0x11  }
0xba: {  	s0 =	sor.u32 s1, s0  }
0xbb: {  	s0 =	sadd.s32 $0x8F2B, s0  }
0xbc: {  	[sflag:s0] =	ssyncadd.remote.s32 $0x1  }
0xbd: {  	_ =	sfence.sel $0xFFFF  }
0xbe: {  	[dreg:$0x0] =	wrdreg $0xFFFFFFFF;
	(pc) =	sbr.abs _section_cstart, $3  }
0xbf: {  	[dreg:$0x1] =	wrdreg $0xFFFFFFFF  }
0xc0: {  	_ =	task.clear_ibuf [dreg:s6], $0x2FFFF;
	_ =	strace $0x9FFFFFFF  }
0xc1: {  	(tm) =	ssettm $0x7FFFFFFF  }
tec
execute0_lowered:
.L_overlay_start_1:
0x0: {  	(tag) =	ssettag $0x1  }
0x1: {  	s4 =	rddreg [dreg:$0x0];
	v0 =	vimm.s32 $0xEFCDAB89;
	v3 =	vimm.s32 $0xDCFE98BA;
	v4 =	vimm.s32 $0x54761032  }
0x2: {  	s2 =	simm.s32 $0x0;
	s3 =	srdreg.scid;
	s0 =	stileid.u32;
	v5 =	vimm.s32 $0xBA98FEDC;
	v6 =	vimm.s32 $0x32107654;
	v7 =	vimm.s32 $0xFEDCBA98  }
0x3: {  	v8 =	vimm.s32 $0x76543210;
	s9 =	simm.s32 $0x3400;
	s10 =	simm.s32 $0x68;
	s11 =	simm.s32 $0x4D00  }
0x4: {  	s12 =	simm.s32 $0xD0;
	s13 =	simm.s32 $0x6600;
	s14 =	simm.s32 $0x138;
	vm0 =	vcmask $0x3700;
	v1 =	vunpack.c.l.s4.s8 v0  }
0x5: {  	s15 =	simm.s32 $0x7F00;
	s16 =	simm.s32 $0x9800;
	s17 =	simm.s32 $0xB100;
	v0 =	vimm.s32 $0x67452301;
	v3 =	vunpack.c.l.s4.s8 v3;
	v4 =	vunpack.c.l.s4.s8 v4  }
0x6: {  	s18 =	simm.s32 $0xCA00;
	s19 =	simm.s32 $0xE300;
	s20 =	simm.s32 $0x1;
	v5 =	vunpack.c.l.s4.s8 v5;
	v6 =	vunpack.c.l.s4.s8 v6;
	v2 =	vunpack.c.l.s4.s8 v0  }
0x7: {  	s21 =	simm.s32 $0x2;
	s22 =	simm.s32 $0xFC00;
	s23 =	simm.s32 $0x0;
	v7 =	vunpack.c.l.s4.s8 v7;
	v8 =	vunpack.c.l.s4.s8 v8;
	v1 =	vunpack.c.0.s8.s32 v1  }
0x8: {  	[smem:$0x7FF] =	sst s2;
	s5 =	sand.u32 $0x1, s3;
	s30 =	sshll.u32 s0, $0x1;
	v3 =	vunpack.c.0.s8.s32 v3;
	v4 =	vunpack.c.0.s8.s32 v4;
	v2 =	vunpack.c.0.s8.s32 v2  }
0x9: {  	s3 =	sadd.s32 $0xF42E00, s4;
	s6 =	sor.u32 s5, s30;
	s5 =	ssub.s32 $0x2, s5;
	v5 =	vunpack.c.0.s8.s32 v5;
	v6 =	vunpack.c.0.s8.s32 v6;
	v7 =	vunpack.c.0.s8.s32 v7  }
0xa: {  	v0 =	vimm.f32 $1.000000000e+00;
	s7 =	smul.u32 $0x680, s6;
	s6 =	sshll.u32 s6, $0xB;
	s31 =	sshrl.u32 s5, $0x1;
	v8 =	vunpack.c.0.s8.s32 v8;
	v1 =	vcombine.low v2, v1  }
0xb: {  	_ =	strace $0x80000047;
	s6 =	sadd.s32 s6, s4;
	s8 =	ssub.s32 s5, s31;
	v2 =	vcombine.low v4, v3;
	v3 =	vcombine.low v6, v5;
	v5 =	vand.u32 $0xF, v7  }
0xc: {  	s7 =	sadd.s32 s7, s4;
	s5 =	sadd.s32 $0xDA00, s6;
	s6 =	smax.u32 s8, $0x1;
	v4 =	vsel vm0, $0x0, v0;
	v5 =	vcombine.low v5, v8  }
0xd: {  	s8 =	simm.s32 $0x64;
	s4 =	sadd.s32 $0xA00, s7;
	s7 =	simm.s32 $0x3;
	v6 =	vand.u32 $0xF, v1;
	v7 =	vand.u32 $0xF, v2;
	v8 =	vand.u32 $0xF, v3  }
.LBB2_1:
0xe: {  	[tilespmem:s2], [sflag:$0x3] =	stream.linear.gather [hbm4b:s4+s2], $0x3400, $0x38;
	[tilespmem:$0x13C00] =	vst v63  }
0xf: {  	_ =	swait.ge [sflag:s7], $0x3400  }
0x10: {  	[sflag:s7] =	ssyncset.done $0x0  }
0x11: {  	[sflag:s7] =	ssyncadd.s32 $0xFFFFCC00  }
0x12: {  	[tilespmem:s9], [sflag:$0x1] =	stream.indirect.gather [hbm4b:s3+s8], $0x40, s2, s8, $0xb8;
	[tilespmem:$0x13C00] =	vst v63  }
0x13: {  	_ = 	snop  }
0x14: {  	[tilespmem:s11], [sflag:$0x1] =	stream.indirect.gather [hbm4b:s3+s8], $0x40, s10, s8, $0xb8;
	[tilespmem:$0x13C00] =	vst v63  }
0x15: {  	_ = 	snop  }
0x16: {  	[tilespmem:s13], [sflag:$0x1] =	stream.indirect.gather [hbm4b:s3+s8], $0x40, s12, s8, $0xb8;
	[tilespmem:$0x13C00] =	vst v63  }
0x17: {  	s24 =	simm.s32 $0x0  }
0x18: {  	[tilespmem:s15], [sflag:$0x1] =	stream.indirect.gather [hbm4b:s3+s8], $0x40, s14, s8, $0xb8;
	[tilespmem:$0x13C00] =	vst v63  }
.LBB2_2:
0x19: {  	s25 =	sshllo.u32 s24, $0x1  }
0x1a: {  	s26 =	smul.u32 $0x680, s25;
	_ =	sdelay $0x1  }
0x1b: {  	s26 =	sshra.s32 s26, $0x2  }
0x1c: {  	[tilespmem:s16], [sflag:$0x2] =	stream.indirect.gather [hbm4b:s3+s8], $0x40, s26, s8, $0xb8;
	[tilespmem:$0x13C00] =	vst v63  }
0x1d: {  	s28 =	sadd.s32 $0x68, s26  }
0x1e: {  	[tilespmem:s17], [sflag:$0x2] =	stream.indirect.gather [hbm4b:s3+s8], $0x40, s28, s8, $0xb8;
	[tilespmem:$0x13C00] =	vst v63  }
0x1f: {  	s28 =	sadd.s32 $0xD0, s26  }
0x20: {  	[tilespmem:s18], [sflag:$0x2] =	stream.indirect.gather [hbm4b:s3+s8], $0x40, s28, s8, $0xb8;
	[tilespmem:$0x13C00] =	vst v63  }
0x21: {  	s31 =	sshll.u32 s24, $0xA;
	s26 =	sadd.s32 $0x138, s26  }
0x22: {  	[tilespmem:s19], [sflag:$0x2] =	stream.indirect.gather [hbm4b:s3+s8], $0x40, s26, s8, $0xb8;
	[tilespmem:$0x13C00] =	vst v63  }
0x23: {  	s26 =	sand.u32 $0x3FFFFC00, s31;
	_ =	swait.ge [sflag:s20], $0x6400  }
0x24: {  	s29 =	simm.s32 $0x34A0;
	s30 =	sadd.s32 $0xFC00, s26;
	[sflag:s20] =	ssyncset.done $0x0  }
0x25: {  	s28 =	simm.s32 $0x0;
	s26 =	sshll.u32 s24, $0x3;
	v9 =	vmov s30;
	[sflag:s20] =	ssyncadd.s32 $0xFFFF9C00  }
.LBB2_3:
0x26: {  	s30 =	sshrl.u32 s28, $0x1  }
0x27: {  	s31 =	sand.u32 $0x1, s28;
	v17 =	vld [tilespmem:s29+$0xFFFFFFB0];
	s30 =	sadd.s32 s26, s30  }
0x28: {  	v10 =	vld [tilespmem:s29+$0x90];
	p0 =	seq.s32 s31, $0x1;
	s31 =	simm.s32 $0x32;
	s30 =	smul.u32 $0x1A0, s30  }
0x29: {  	v12 =	vld [tilespmem:s29+$0x80];
	s31 =	simm.s32 @!p0 $0x0  }
0x2a: {  	v11 =	vld [tilespmem:s29+$0x70];
	s0 =	sand.u32 $0x30, s31;
	s30 =	sshra.s32 s30, $0x2  }
0x2b: {  	v13 =	vld [tilespmem:s29+$0x60];
	s1 =	sand.u32 $0x2, s31;
	s0 =	sadd.s32 s0, s30  }
0x2c: {  	v26 =	vld [tilespmem:s29+$0xFFFFFF60];
	s0 =	sor.u32 s1, s0  }
0x2d: {  	v14 =	vld [tilespmem:s0+$0x0]  }
0x2e: {  	s1 =	sadd.s32 $0x22, s31;
	v15 =	vld [tilespmem:s0+$0x10]  }
0x2f: {  	v28 =	vld [tilespmem:s29+$0xFFFFFF70];
	s31 =	sand.u32 $0x70, s1  }
0x30: {  	s1 =	sand.u32 $0x6, s1;
	v16 =	vld [tilespmem:s0+$0x20];
	s30 =	sadd.s32 s31, s30  }
0x31: {  	v25 =	vld [tilespmem:s29+$0xFFFFFF80];
	s1 =	sor.u32 s1, s30  }
0x32: {  	v18 =	vld [tilespmem:s1+$0x0]  }
0x33: {  	v29 =	vld [tilespmem:s29+$0xFFFFFF90];
	vm0 =	veq.s32 v14, $0x0;
	vm1 =	veq.s32 v15, $0x0  }
0x34: {  	v21 =	vld [tilespmem:s29+$0xFFFFFFA0];
	v15 =	vsel vm0, $0x0, v0;
	v19 =	vsel vm1, $0x0, v0  }
0x35: {  	v27 =	vld [tilespmem:s29+$0xFFFFFFC0];
	v20 =	vmul.f32 v11, v11;
	vm14 =	veq.s32 v16, $0x0;
	v19 =	vadd.f32 v19, v15  }
0x36: {  	v22 =	vmul.f32 v13, v13;
	v23 =	vmul.f32 v28, v28;
	v14 =	vld [tilespmem:s29+$0x0];
	v16 =	vsel vm14, $0x0, v0  }
0x37: {  	v15 =	vld [tilespmem:s29+$0x30];
	vm15 =	veq.s32 v18, $0x0;
	v18 =	vmul.f32 v26, v26;
	v19 =	vadd.f32 v16, v19  }
0x38: {  	v30 =	vmul.f32 v12, v12;
	v20 =	vadd.f32 v20, v22;
	v16 =	vld [tilespmem:s29+$0x20];
	v24 =	vsel vm15, $0x0, v4  }
0x39: {  	v22 =	vmul.f32 v25, v25;
	v18 =	vadd.f32 v23, v18;
	v31 =	vadd.f32 v24, v19;
	v19 =	vld [tilespmem:s29+$0xFFFFFFE0]  }
0x3a: {  	v20 =	vadd.f32 v30, v20;
	v23 =	vmul.f32 v10, v10;
	v24 =	vld [tilespmem:s29+$0xFFFFFFF0]  }
0x3b: {  	v33 =	vmul.f32 v17, v17;
	v37 =	vmul.f32 v21, v21;
	v22 =	vadd.f32 v22, v18;
	v18 =	vld [tilespmem:s29+$0x40]  }
0x3c: {  	v32 =	vmul.f32 v29, v29;
	v35 =	vadd.f32 v23, v20;
	v23 =	vld [tilespmem:s29+$0xFFFFFFD0]  }
0x3d: {  	v42 =	vmul.f32 v27, v27;
	v33 =	vadd.f32 v33, v37;
	v20 =	vld [tilespmem:s29+$0x50]  }
0x3e: {  	v36 =	vmul.f32 v14, v14;
	v34 =	vmul.f32 v15, v15;
	v38 =	vadd.f32 v32, v22  }
0x3f: {  	v39 =	vmul.f32 v16, v16;
	v40 =	vperm.xlane v35, v6;
	v22 =	vld [tilespmem:s29+$0x10]  }
0x40: {  	v33 =	vadd.f32 v42, v33;
	v41 =	vmul.f32 v19, v19;
	v54 =	vperm.xlane v38, v6  }
0x41: {  	v35 =	vadd.f32 v35, v40;
	v56 =	vmul.f32 v24, v24;
	v55 =	vmul.f32 v18, v18  }
0x42: {  	v34 =	vadd.f32 v34, v39;
	v57 =	vmul.f32 v23, v23;
	v59 =	vmul.f32 v20, v20  }
0x43: {  	v37 =	vadd.f32 v38, v54;
	v43 =	vperm.xlane v35, v7;
	v38 =	vadd.f32 v56, v41  }
0x44: {  	v34 =	vadd.f32 v55, v34;
	v33 =	vadd.f32 v57, v33;
	v60 =	vmul.f32 v22, v22  }
0x45: {  	v58 =	vperm.xlane v37, v7;
	v35 =	vadd.f32 v35, v43;
	v36 =	vadd.f32 v36, v38  }
0x46: {  	v30 =	vperm.xlane v31, v1;
	v34 =	vadd.f32 v59, v34;
	v62 =	vperm.xlane v33, v6  }
0x47: {  	v37 =	vadd.f32 v37, v58;
	v61 =	vperm.xlane v35, v8;
	v36 =	vadd.f32 v60, v36  }
0x48: {  	v30 =	vadd.f32 v31, v30;
	v63 =	vperm.xlane v34, v6;
	v33 =	vadd.f32 v33, v62  }
0x49: {  	v31 =	vperm.xlane v37, v8;
	v35 =	vadd.f32 v35, v61;
	v45 =	vperm.xlane v36, v6  }
0x4a: {  	v44 =	vperm.xlane v30, v2;
	v34 =	vadd.f32 v34, v63;
	v47 =	vperm.xlane v33, v7  }
0x4b: {  	v31 =	vadd.f32 v37, v31;
	v46 =	vperm.xlane v35, v5;
	v36 =	vadd.f32 v36, v45  }
0x4c: {  	v30 =	vadd.f32 v30, v44;
	v49 =	vperm.xlane v34, v7;
	v33 =	vadd.f32 v33, v47  }
0x4d: {  	v48 =	vperm.xlane v31, v5;
	v35 =	vadd.f32 v35, v46;
	v51 =	vperm.xlane v36, v7  }
0x4e: {  	v50 =	vperm.xlane v30, v3;
	v34 =	vadd.f32 v34, v49;
	v52 =	vperm.xlane v33, v8  }
0x4f: {  	v31 =	vadd.f32 v31, v48;
	v35 =	vmax.f32 v35, $1.000000000e+00;
	v36 =	vadd.f32 v36, v51  }
0x50: {  	v53 =	vshra.s32 v35, $0x1;
	v33 =	vadd.f32 v33, v52;
	v35 =	vmul.f32 $5.000000000e-01, v35  }
0x51: {  	v58 =	vperm.xlane v34, v8;
	v31 =	vmax.f32 v31, $1.000000000e+00;
	v56 =	vperm.xlane v36, v8  }
0x52: {  	v40 =	vsub.s32 $0x5F375A86, v53;
	v54 =	vshra.s32 v31, $0x1;
	v31 =	vmul.f32 $5.000000000e-01, v31  }
0x53: {  	v32 =	vimm.f32 $0.0e+00;
	v57 =	vperm.xlane v33, v5;
	v35 =	vmul.f32 v40, v35  }
0x54: {  	v34 =	vadd.f32 v34, v58;
	v55 =	vsub.s32 $0x5F375A86, v54;
	v36 =	vadd.f32 v36, v56  }
0x55: {  	v30 =	vadd.f32 v30, v50;
	v31 =	vmul.f32 v55, v31;
	v35 =	vmul.f32 v40, v35  }
0x56: {  	v33 =	vadd.f32 v33, v57;
	v62 =	vperm.xlane v34, v5;
	v60 =	vperm.xlane v36, v5  }
0x57: {  	v59 =	vmul.f32 v55, v31;
	v31 =	vperm.xlane v30, v5;
	v35 =	vsub.f32 $1.500000000e+00, v35  }
0x58: {  	v33 =	vmax.f32 v33, $1.000000000e+00;
	v63 =	vadd.f32 v34, v62;
	v36 =	vadd.f32 v36, v60  }
0x59: {  	v61 =	vshra.s32 v33, $0x1;
	v33 =	vmul.f32 $5.000000000e-01, v33;
	v38 =	vsub.f32 $1.500000000e+00, v59  }
0x5a: {  	v39 =	vsub.s32 $0x5F375A86, v61;
	v35 =	vmul.f32 v40, v35;
	v36 =	vmax.f32 v36, $1.000000000e+00  }
0x5b: {  	v33 =	vmul.f32 v39, v33;
	v37 =	vmul.f32 v55, v38;
	v34 =	vshra.s32 v36, $0x1  }
0x5c: {  	v38 =	vmax.f32 v63, $1.000000000e+00;
	v35 =	vmul.f32 $1.000000000e+01, v35;
	v41 =	vmul.f32 $5.000000000e-01, v36  }
0x5d: {  	v36 =	vimm.f32 $0.0e+00;
	v42 =	vshra.s32 v38, $0x1;
	v37 =	vmul.f32 $1.000000000e+01, v37  }
0x5e: {  	v43 =	vmul.f32 v39, v33;
	v38 =	vmul.f32 $5.000000000e-01, v38;
	v33 =	vmin.f32 v35, $1.000000000e+00  }
0x5f: {  	s31 =	sadd.s32 $0x140, s29;
	s30 =	simm.s32 $0x0;
	v35 =	vimm.f32 $0.0e+00;
	v40 =	vmin.f32 v37, $1.000000000e+00;
	v37 =	vimm.f32 $0.0e+00  }
.LBB2_4:
0x60: {  	v44 =	vld [tilespmem:s31+$0xFFFFFFB0];
	s30 =	sadd.s32 $0x5, s30;
	v45 =	vsub.s32 $0x5F375A86, v34;
	v42 =	vsub.s32 $0x5F375A86, v42;
	v34 =	vmul.f32 v33, v12  }
0x61: {  	v26 =	vmul.f32 v40, v26;
	v28 =	vmul.f32 v40, v28;
	v46 =	vld [tilespmem:s31+$0x90];
	p0 =	slt.u32 s30, $0x2D;
	v43 =	vsub.f32 $1.500000000e+00, v43  }
0x62: {  	v29 =	vmul.f32 v40, v29;
	v47 =	vmul.f32 v42, v38;
	v12 =	vld [tilespmem:s31+$0x80]  }
0x63: {  	v25 =	vmul.f32 v40, v25;
	v32 =	vadd.f32 v26, v32;
	v38 =	vld [tilespmem:s31+$0x70];
	v26 =	vmul.f32 v39, v43  }
0x64: {  	v29 =	vadd.f32 v29, v36;
	v36 =	vmul.f32 v45, v41;
	v40 =	vmul.f32 v42, v47;
	v39 =	vld [tilespmem:s31+$0x60]  }
0x65: {  	v41 =	vmul.f32 v44, v44;
	v43 =	vld [tilespmem:s31+$0x50];
	v26 =	vmul.f32 $1.000000000e+01, v26  }
0x66: {  	v48 =	vmul.f32 v33, v10;
	v36 =	vmul.f32 v45, v36;
	v40 =	vsub.f32 $1.500000000e+00, v40;
	v47 =	vld [tilespmem:s31+$0x0];
	v10 =	vmovc v46  }
0x67: {  	v28 =	vadd.f32 v28, v35;
	v49 =	vld [tilespmem:s31+$0x30];
	v50 =	vmul.f32 v12, v12;
	v35 =	vmin.f32 v26, $1.000000000e+00  }
0x68: {  	v37 =	vadd.f32 v25, v37;
	v25 =	vsub.f32 $1.500000000e+00, v36;
	v51 =	vld [tilespmem:s31+$0x20];
	v52 =	vmul.f32 v35, v17;
	v17 =	vmovc v44  }
0x69: {  	v44 =	vmul.f32 v46, v10;
	v27 =	vmul.f32 v35, v27;
	v36 =	vld [tilespmem:s31+$0x10]  }
0x6a: {  	v46 =	vmul.f32 v38, v38;
	v45 =	vmul.f32 v45, v25;
	v26 =	vld [tilespmem:s31+$0xFFFFFF60]  }
0x6b: {  	v54 =	vmul.f32 v35, v21;
	v53 =	vmul.f32 v43, v43;
	v21 =	vld [tilespmem:s31+$0xFFFFFFA0]  }
0x6c: {  	v23 =	vmul.f32 v35, v23;
	v25 =	vld [tilespmem:s31+$0xFFFFFF80];
	v55 =	vmul.f32 v49, v49  }
0x6d: {  	v56 =	vmul.f32 v39, v39;
	v52 =	vadd.f32 v52, v28;
	v45 =	vmul.f32 $1.000000000e+01, v45;
	v35 =	vld [tilespmem:s31+$0xFFFFFFE0]  }
0x6e: {  	v32 =	vadd.f32 v54, v32;
	v54 =	vadd.f32 v23, v29;
	v29 =	vmul.f32 v42, v40;
	v28 =	vld [tilespmem:s31+$0xFFFFFF70]  }
0x6f: {  	v37 =	vadd.f32 v27, v37;
	v42 =	vmul.f32 v33, v13;
	v13 =	vmovc v39;
	v40 =	vmul.f32 v26, v26;
	v23 =	vld [tilespmem:s31+$0xFFFFFFD0]  }
0x70: {  	v39 =	vmul.f32 v47, v47;
	v45 =	vmin.f32 v45, $1.000000000e+00;
	v27 =	vmul.f32 $1.000000000e+01, v29  }
0x71: {  	v46 =	vadd.f32 v46, v56;
	v24 =	vmul.f32 v45, v24;
	v57 =	vmul.f32 v25, v25  }
0x72: {  	v58 =	vmul.f32 v45, v19;
	v59 =	vmin.f32 v27, $1.000000000e+00;
	v29 =	vld [tilespmem:s31+$0xFFFFFF90];
	v56 =	vmul.f32 v35, v35;
	v19 =	vmovc v35  }
0x73: {  	v46 =	vadd.f32 v50, v46;
	v50 =	vmul.f32 v45, v22;
	v22 =	vmovc v36;
	v35 =	vmul.f32 v28, v28;
	v27 =	vld [tilespmem:s31+$0xFFFFFFC0]  }
0x74: {  	v52 =	vadd.f32 v24, v52;
	v61 =	vmul.f32 v59, v15;
	v15 =	vmovc v49;
	v60 =	vmul.f32 v23, v23  }
0x75: {  	v32 =	vadd.f32 v58, v32;
	v24 =	vadd.f32 v35, v40;
	v35 =	vmul.f32 v21, v21  }
0x76: {  	v49 =	vmul.f32 v59, v20;
	v20 =	vmovc v43;
	v40 =	vmul.f32 v36, v22;
	v36 =	vadd.f32 v50, v54  }
0x77: {  	v54 =	vmul.f32 v59, v18;
	v43 =	vadd.f32 v57, v24;
	v50 =	vmul.f32 v29, v29;
	v18 =	vld [tilespmem:s31+$0x40]  }
0x78: {  	v45 =	vmul.f32 v45, v14;
	v14 =	vmovc v47;
	v44 =	vadd.f32 v44, v46;
	v57 =	vmul.f32 v27, v27;
	v24 =	vld [tilespmem:s31+$0xFFFFFFF0]  }
0x79: {  	v35 =	vadd.f32 v41, v35;
	v41 =	vmul.f32 v51, v51;
	v43 =	vadd.f32 v50, v43  }
0x7a: {  	v37 =	vadd.f32 v45, v37;
	v46 =	vperm.xlane v44, v6;
	v36 =	vadd.f32 v49, v36  }
0x7b: {  	v47 =	vmul.f32 v59, v16;
	v16 =	vmovc v51;
	v41 =	vadd.f32 v55, v41;
	v45 =	vperm.xlane v43, v6  }
0x7c: {  	v44 =	vadd.f32 v44, v46;
	v37 =	vadd.f32 v54, v37;
	v49 =	vmul.f32 v18, v18  }
0x7d: {  	v32 =	vadd.f32 v47, v32;
	v43 =	vadd.f32 v43, v45;
	v45 =	vmul.f32 v24, v24  }
0x7e: {  	v47 =	vadd.f32 v61, v52;
	v46 =	vperm.xlane v44, v7;
	v41 =	vadd.f32 v49, v41  }
0x7f: {  	v32 =	vadd.f32 v42, v32;
	v35 =	vadd.f32 v57, v35;
	v49 =	vperm.xlane v43, v7  }
0x80: {  	v42 =	vadd.f32 v44, v46;
	v36 =	vadd.f32 v48, v36  }
0x81: {  	v33 =	vmul.f32 v33, v11;
	v11 =	vmovc v38;
	v44 =	vadd.f32 v45, v56;
	v43 =	vadd.f32 v43, v49  }
0x82: {  	v38 =	vadd.f32 v60, v35;
	v45 =	vperm.xlane v42, v8;
	v41 =	vadd.f32 v53, v41  }
0x83: {  	v35 =	vadd.f32 v33, v47;
	v39 =	vadd.f32 v39, v44;
	v46 =	vperm.xlane v43, v8  }
0x84: {  	v33 =	vperm.xlane v38, v6;
	v42 =	vadd.f32 v42, v45;
	v44 =	vperm.xlane v41, v6  }
0x85: {  	v39 =	vadd.f32 v40, v39;
	v43 =	vadd.f32 v43, v46  }
0x86: {  	v33 =	vadd.f32 v38, v33;
	v40 =	vperm.xlane v42, v5;
	v38 =	vadd.f32 v41, v44  }
0x87: {  	v37 =	vadd.f32 v34, v37;
	v44 =	vperm.xlane v39, v6;
	v41 =	vperm.xlane v43, v5  }
0x88: {  	v34 =	vperm.xlane v33, v7;
	v40 =	vadd.f32 v42, v40;
	v45 =	vperm.xlane v38, v7  }
0x89: {  	v39 =	vadd.f32 v39, v44;
	v41 =	vadd.f32 v43, v41  }
0x8a: {  	v33 =	vadd.f32 v33, v34;
	v34 =	vadd.f32 v38, v45  }
0x8b: {  	v40 =	vmax.f32 v40, $1.000000000e+00;
	v38 =	vperm.xlane v39, v7  }
0x8c: {  	v42 =	vperm.xlane v33, v8;
	v43 =	vshra.s32 v40, $0x1;
	v41 =	vmax.f32 v41, $1.000000000e+00  }
0x8d: {  	v43 =	vsub.s32 $0x5F375A86, v43;
	v38 =	vadd.f32 v39, v38;
	v44 =	vshra.s32 v41, $0x1  }
0x8e: {  	v33 =	vadd.f32 v33, v42;
	v39 =	vmul.f32 $5.000000000e-01, v41;
	v41 =	vperm.xlane v34, v8  }
0x8f: {  	v40 =	vmul.f32 $5.000000000e-01, v40;
	v42 =	vsub.s32 $0x5F375A86, v44;
	v44 =	vperm.xlane v38, v8  }
0x90: {  	v45 =	vperm.xlane v33, v5;
	v39 =	vmul.f32 v42, v39  }
0x91: {  	v40 =	vmul.f32 v43, v40;
	v38 =	vadd.f32 v38, v44  }
0x92: {  	v33 =	vadd.f32 v33, v45;
	v39 =	vmul.f32 v42, v39  }
0x93: {  	v40 =	vmul.f32 v43, v40;
	v34 =	vadd.f32 v34, v41;
	v44 =	vperm.xlane v38, v5  }
0x94: {  	v33 =	vmax.f32 v33, $1.000000000e+00;
	v39 =	vsub.f32 $1.500000000e+00, v39  }
0x95: {  	v41 =	vshra.s32 v33, $0x1;
	v40 =	vsub.f32 $1.500000000e+00, v40;
	v45 =	vperm.xlane v34, v5  }
0x96: {  	v33 =	vmul.f32 $5.000000000e-01, v33;
	v38 =	vadd.f32 v38, v44;
	v42 =	vmul.f32 v42, v39  }
.Ltmp0:
0x97: {  	v40 =	vmul.f32 v43, v40;
	v39 =	vsub.s32 $0x5F375A86, v41;
	v41 =	vadd.f32 v34, v45;
	(pc) =	sbr.rel @p0 .LBB2_4-.Ltmp0, $4  }
0x98: {  	v33 =	vmul.f32 v39, v33;
	v38 =	vmax.f32 v38, $1.000000000e+00;
	v42 =	vmul.f32 $1.000000000e+01, v42  }
0x99: {  	v45 =	vmul.f32 $1.000000000e+01, v40;
	v34 =	vshra.s32 v38, $0x1;
	v44 =	vmax.f32 v41, $1.000000000e+00  }
0x9a: {  	v41 =	vmul.f32 $5.000000000e-01, v38;
	v40 =	vmin.f32 v42, $1.000000000e+00;
	v42 =	vshra.s32 v44, $0x1  }
0x9b: {  	s31 =	sadd.s32 $0x140, s31;
	v43 =	vmul.f32 v39, v33;
	v38 =	vmul.f32 $5.000000000e-01, v44;
	v33 =	vmin.f32 v45, $1.000000000e+00  }
0x9c: {  	v34 =	vsub.s32 $0x5F375A86, v34  }
0x9d: {  	v26 =	vmul.f32 v40, v26;
	v28 =	vmul.f32 v40, v28;
	v42 =	vsub.s32 $0x5F375A86, v42  }
0x9e: {  	v29 =	vmul.f32 v40, v29;
	v43 =	vsub.f32 $1.500000000e+00, v43;
	v41 =	vmul.f32 v34, v41  }
0x9f: {  	v25 =	vmul.f32 v40, v25;
	v38 =	vmul.f32 v42, v38  }
0xa0: {  	v39 =	vmul.f32 v39, v43;
	v41 =	vmul.f32 v34, v41  }
0xa1: {  	v30 =	vadd.f32 v30, v31;
	v13 =	vmul.f32 v33, v13;
	v53 =	vmul.f32 v42, v38  }
0xa2: {  	v11 =	vmul.f32 v33, v11;
	v39 =	vmul.f32 $1.000000000e+01, v39;
	v55 =	vsub.f32 $1.500000000e+00, v41  }
0xa3: {  	v26 =	vadd.f32 v26, v32;
	v30 =	vmax.f32 v30, $9.999999680e-21;
	v32 =	vsub.f32 $1.500000000e+00, v53  }
0xa4: {  	(erf) = vrcp.f32 v30;
	v54 =	vmin.f32 v39, $1.000000000e+00;
	v34 =	vmul.f32 v34, v55  }
0xa5: {  	v29 =	vadd.f32 v29, v36;
	v32 =	vmul.f32 v42, v32;
	v17 =	vmul.f32 v54, v17  }
0xa6: {  	v28 =	vadd.f32 v28, v35;
	v27 =	vmul.f32 v54, v27;
	v56 =	vmul.f32 $1.000000000e+01, v34  }
0xa7: {  	v25 =	vadd.f32 v25, v37;
	v21 =	vmul.f32 v54, v21;
	v23 =	vmul.f32 v54, v23  }
0xa8: {  	v58 =	vmul.f32 $1.000000000e+01, v32;
	v17 =	vadd.f32 v17, v28;
	v57 =	vmin.f32 v56, $1.000000000e+00  }
0xa9: {  	v21 =	vadd.f32 v21, v26;
	v23 =	vadd.f32 v23, v29;
	v19 =	vmul.f32 v57, v19  }
0xaa: {  	v25 =	vadd.f32 v27, v25;
	v59 =	vmin.f32 v58, $1.000000000e+00;
	v24 =	vmul.f32 v57, v24  }
0xab: {  	v14 =	vmul.f32 v57, v14;
	v16 =	vmul.f32 v59, v16;
	v19 =	vadd.f32 v19, v21  }
0xac: {  	v22 =	vmul.f32 v57, v22;
	v15 =	vmul.f32 v59, v15;
	v17 =	vadd.f32 v24, v17  }
0xad: {  	v18 =	vmul.f32 v59, v18;
	v14 =	vadd.f32 v14, v25;
	v16 =	vadd.f32 v16, v19  }
0xae: {  	v61 =	vmul.f32 v59, v20;
	v60 =	vadd.f32 v22, v23;
	v15 =	vadd.f32 v15, v17  }
0xaf: {  	v12 =	vmul.f32 v33, v12;
	v14 =	vadd.f32 v18, v14;
	v13 =	vadd.f32 v13, v16  }
0xb0: {  	v10 =	vmul.f32 v33, v10;
	s0 =	sshll.u32 s28, $0x6;
	s28 =	sadd.s32 $0x1, s28;
	v63 =	vpop (erf);
	v62 =	vadd.f32 v61, v60;
	v11 =	vadd.f32 v11, v15  }
0xb1: {  	p0 =	sne.s32 s28, $0x8;
	v12 =	vadd.f32 v12, v14;
	v13 =	vmul.f32 v13, v63  }
.Ltmp1:
0xb2: {  	s0 =	sand.u32 $0x3FFFFFC0, s0;
	v10 =	vadd.f32 v10, v62;
	v11 =	vmul.f32 v11, v63;
	(pc) =	sbr.rel @p0 .LBB2_3-.Ltmp1, $4  }
0xb3: {  	v12 =	vmul.f32 v12, v63;
	[tilespmem:v9+s0+$0x0 ss:$0x1] =	vst.idx.msk $0xffff, v13  }
0xb4: {  	v10 =	vmul.f32 v10, v63;
	[tilespmem:v9+s0+$0x10 ss:$0x1] =	vst.idx.msk $0xffff, v11  }
0xb5: {  	[tilespmem:v9+s0+$0x20 ss:$0x1] =	vst.idx.msk $0xffff, v12  }
0xb6: {  	s29 =	sadd.s32 $0xC80, s29;
	[tilespmem:v9+s0+$0x30 ss:$0x1] =	vst.idx.msk $0xffff, v10  }
0xb7: {  	p0 =	seq.s32 s24, $0xF  }
0xb8: {  	s0 =	smul.u32 @!p0 $0xD00, s24;
	_ =	sdelay $0x1  }
0xb9: {  	s0 =	sshra.s32 @!p0 s0, $0x2  }
0xba: {  	s26 =	simm.s32 @!p0 $0x64;
	s28 =	simm.s32 @!p0 $0x3400;
	s1 =	sadd.s32 @!p0 $0x340, s0  }
0xbb: {  	[tilespmem:s28], [sflag:$0x1] =	stream.indirect.gather @!p0 [hbm4b:s3+s26], $0x40, s1, s26, $0xb8;
	[tilespmem:$0x13C00] =	vst v63  }
0xbc: {  	s1 =	sadd.s32 @!p0 $0x3A8, s0;
	s28 =	simm.s32 @!p0 $0x4D00  }
0xbd: {  	[tilespmem:s28], [sflag:$0x1] =	stream.indirect.gather @!p0 [hbm4b:s3+s26], $0x40, s1, s26, $0xb8;
	[tilespmem:$0x13C00] =	vst v63  }
0xbe: {  	s1 =	sadd.s32 @!p0 $0x410, s0;
	s28 =	simm.s32 @!p0 $0x6600  }
0xbf: {  	[tilespmem:s28], [sflag:$0x1] =	stream.indirect.gather @!p0 [hbm4b:s3+s26], $0x40, s1, s26, $0xb8;
	[tilespmem:$0x13C00] =	vst v63  }
0xc0: {  	s31 =	sshll.u32 s25, $0x9;
	s0 =	sadd.s32 @!p0 $0x478, s0;
	s1 =	simm.s32 @!p0 $0x7F00  }
0xc1: {  	[tilespmem:s1], [sflag:$0x1] =	stream.indirect.gather @!p0 [hbm4b:s3+s26], $0x40, s0, s26, $0xb8;
	[tilespmem:$0x13C00] =	vst v63  }
0xc2: {  	s0 =	sand.u32 $0x3FFFFE00, s31;
	_ =	swait.ge [sflag:s21], $0x6400  }
0xc3: {  	s25 =	sshll.u32 s25, $0x2;
	s0 =	sadd.s32 $0xFC00, s0;
	[sflag:s21] =	ssyncset.done $0x0  }
0xc4: {  	s28 =	simm.s32 $0x9800;
	s26 =	simm.s32 $0x0;
	v9 =	vmov s0;
	[sflag:s21] =	ssyncadd.s32 $0xFFFF9C00  }
.LBB2_7:
0xc5: {  	s0 =	sshrl.u32 s26, $0x1  }
0xc6: {  	s1 =	sand.u32 $0x1, s26;
	v17 =	vld [tilespmem:s28+$0x50];
	s0 =	sadd.s32 s25, s0  }
0xc7: {  	v10 =	vld [tilespmem:s28+$0x130];
	p0 =	seq.s32 s1, $0x1;
	s1 =	simm.s32 $0x32;
	s0 =	smul.u32 $0x1A0, s0  }
0xc8: {  	v12 =	vld [tilespmem:s28+$0x120];
	s1 =	simm.s32 @!p0 $0x0  }
0xc9: {  	v11 =	vld [tilespmem:s28+$0x110];
	s29 =	sand.u32 $0x30, s1;
	s0 =	sshra.s32 s0, $0x2  }
0xca: {  	v13 =	vld [tilespmem:s28+$0x100];
	s30 =	sand.u32 $0x2, s1;
	s29 =	sadd.s32 s29, s0  }
0xcb: {  	v26 =	vld [tilespmem:s28+$0x0];
	s29 =	sor.u32 s30, s29  }
0xcc: {  	s1 =	sadd.s32 $0x22, s1;
	v14 =	vld [tilespmem:s29+$0x0]  }
0xcd: {  	s30 =	sand.u32 $0x70, s1;
	v15 =	vld [tilespmem:s29+$0x10]  }
0xce: {  	v28 =	vld [tilespmem:s28+$0x10];
	s1 =	sand.u32 $0x6, s1;
	s0 =	sadd.s32 s30, s0  }
0xcf: {  	v16 =	vld [tilespmem:s29+$0x20];
	s0 =	sor.u32 s1, s0  }
0xd0: {  	v18 =	vld [tilespmem:s0+$0x0]  }
0xd1: {  	v25 =	vld [tilespmem:s28+$0x20]  }
0xd2: {  	v29 =	vld [tilespmem:s28+$0x30];
	v20 =	vmul.f32 v11, v11;
	vm0 =	veq.s32 v14, $0x0;
	vm1 =	veq.s32 v15, $0x0  }
0xd3: {  	v21 =	vld [tilespmem:s28+$0x40];
	v22 =	vmul.f32 v13, v13;
	v15 =	vsel vm0, $0x0, v0;
	v19 =	vsel vm1, $0x0, v0  }
0xd4: {  	v27 =	vld [tilespmem:s28+$0x60];
	v23 =	vmul.f32 v28, v28;
	vm14 =	veq.s32 v16, $0x0;
	v19 =	vadd.f32 v19, v15  }
0xd5: {  	v14 =	vld [tilespmem:s28+$0xA0];
	v16 =	vsel vm14, $0x0, v0;
	vm15 =	veq.s32 v18, $0x0;
	v18 =	vmul.f32 v26, v26  }
0xd6: {  	v30 =	vmul.f32 v12, v12;
	v20 =	vadd.f32 v20, v22;
	v15 =	vld [tilespmem:s28+$0xD0];
	v19 =	vadd.f32 v16, v19  }
0xd7: {  	v22 =	vmul.f32 v25, v25;
	v24 =	vsel vm15, $0x0, v4;
	v16 =	vld [tilespmem:s28+$0xC0];
	v18 =	vadd.f32 v23, v18  }
0xd8: {  	v20 =	vadd.f32 v30, v20;
	v23 =	vmul.f32 v10, v10;
	v31 =	vadd.f32 v24, v19;
	v19 =	vld [tilespmem:s28+$0x80]  }
0xd9: {  	v33 =	vmul.f32 v17, v17;
	v37 =	vmul.f32 v21, v21;
	v22 =	vadd.f32 v22, v18;
	v18 =	vld [tilespmem:s28+$0xE0]  }
0xda: {  	v32 =	vmul.f32 v29, v29;
	v24 =	vld [tilespmem:s28+$0x90];
	v35 =	vadd.f32 v23, v20  }
0xdb: {  	v42 =	vmul.f32 v27, v27;
	v33 =	vadd.f32 v33, v37;
	v36 =	vmul.f32 v14, v14;
	v23 =	vld [tilespmem:s28+$0x70]  }
0xdc: {  	v20 =	vld [tilespmem:s28+$0xF0];
	v30 =	vperm.xlane v31, v1;
	v38 =	vadd.f32 v32, v22;
	v40 =	vperm.xlane v35, v6  }
0xdd: {  	v33 =	vadd.f32 v42, v33;
	v34 =	vmul.f32 v15, v15;
	v39 =	vmul.f32 v16, v16  }
0xde: {  	v22 =	vld [tilespmem:s28+$0xB0];
	v54 =	vperm.xlane v38, v6;
	v35 =	vadd.f32 v35, v40;
	v30 =	vadd.f32 v31, v30  }
0xdf: {  	v41 =	vmul.f32 v19, v19;
	v34 =	vadd.f32 v34, v39;
	v56 =	vmul.f32 v24, v24  }
0xe0: {  	v57 =	vmul.f32 v23, v23;
	v37 =	vadd.f32 v38, v54;
	v43 =	vperm.xlane v35, v7  }
0xe1: {  	v55 =	vmul.f32 v18, v18;
	v59 =	vmul.f32 v20, v20;
	v38 =	vadd.f32 v56, v41  }
0xe2: {  	v33 =	vadd.f32 v57, v33;
	v58 =	vperm.xlane v37, v7;
	v35 =	vadd.f32 v35, v43  }
0xe3: {  	v34 =	vadd.f32 v55, v34;
	v60 =	vmul.f32 v22, v22;
	v36 =	vadd.f32 v36, v38  }
0xe4: {  	v62 =	vperm.xlane v33, v6;
	v37 =	vadd.f32 v37, v58;
	v61 =	vperm.xlane v35, v8  }
0xe5: {  	v44 =	vperm.xlane v30, v2;
	v34 =	vadd.f32 v59, v34;
	v36 =	vadd.f32 v60, v36  }
0xe6: {  	v33 =	vadd.f32 v33, v62;
	v31 =	vperm.xlane v37, v8;
	v35 =	vadd.f32 v35, v61  }
0xe7: {  	v30 =	vadd.f32 v30, v44;
	v63 =	vperm.xlane v34, v6;
	v45 =	vperm.xlane v36, v6  }
0xe8: {  	v47 =	vperm.xlane v33, v7;
	v31 =	vadd.f32 v37, v31;
	v46 =	vperm.xlane v35, v5  }
0xe9: {  	v50 =	vperm.xlane v30, v3;
	v34 =	vadd.f32 v34, v63;
	v36 =	vadd.f32 v36, v45  }
0xea: {  	v33 =	vadd.f32 v33, v47;
	v48 =	vperm.xlane v31, v5;
	v35 =	vadd.f32 v35, v46  }
0xeb: {  	v49 =	vperm.xlane v34, v7;
	v51 =	vperm.xlane v36, v7  }
0xec: {  	v52 =	vperm.xlane v33, v8;
	v31 =	vadd.f32 v31, v48;
	v35 =	vmax.f32 v35, $1.000000000e+00  }
0xed: {  	v34 =	vadd.f32 v34, v49;
	v53 =	vshra.s32 v35, $0x1;
	v36 =	vadd.f32 v36, v51  }
0xee: {  	v33 =	vadd.f32 v33, v52;
	v35 =	vmul.f32 $5.000000000e-01, v35;
	v31 =	vmax.f32 v31, $1.000000000e+00  }
0xef: {  	v58 =	vperm.xlane v34, v8;
	v54 =	vshra.s32 v31, $0x1;
	v31 =	vmul.f32 $5.000000000e-01, v31  }
0xf0: {  	v40 =	vsub.s32 $0x5F375A86, v53;
	v56 =	vperm.xlane v36, v8;
	v57 =	vperm.xlane v33, v5  }
0xf1: {  	v35 =	vmul.f32 v40, v35;
	v34 =	vadd.f32 v34, v58;
	v55 =	vsub.s32 $0x5F375A86, v54  }
0xf2: {  	v30 =	vadd.f32 v30, v50;
	v31 =	vmul.f32 v55, v31;
	v36 =	vadd.f32 v36, v56  }
0xf3: {  	v33 =	vadd.f32 v33, v57;
	v35 =	vmul.f32 v40, v35;
	v62 =	vperm.xlane v34, v5  }
0xf4: {  	v59 =	vmul.f32 v55, v31;
	v31 =	vperm.xlane v30, v5  }
0xf5: {  	v60 =	vperm.xlane v36, v5;
	v33 =	vmax.f32 v33, $1.000000000e+00;
	v35 =	vsub.f32 $1.500000000e+00, v35  }
0xf6: {  	v63 =	vadd.f32 v34, v62;
	v61 =	vshra.s32 v33, $0x1;
	v33 =	vmul.f32 $5.000000000e-01, v33  }
0xf7: {  	v38 =	vsub.f32 $1.500000000e+00, v59;
	v36 =	vadd.f32 v36, v60;
	v39 =	vsub.s32 $0x5F375A86, v61  }
0xf8: {  	v32 =	vimm.f32 $0.0e+00;
	v35 =	vmul.f32 v40, v35;
	v33 =	vmul.f32 v39, v33  }
0xf9: {  	v37 =	vmul.f32 v55, v38;
	v36 =	vmax.f32 v36, $1.000000000e+00;
	v38 =	vmax.f32 v63, $1.000000000e+00  }
0xfa: {  	v35 =	vmul.f32 $1.000000000e+01, v35;
	v34 =	vshra.s32 v36, $0x1;
	v41 =	vmul.f32 $5.000000000e-01, v36  }
0xfb: {  	v42 =	vshra.s32 v38, $0x1;
	v43 =	vmul.f32 v39, v33;
	v37 =	vmul.f32 $1.000000000e+01, v37  }
0xfc: {  	v38 =	vmul.f32 $5.000000000e-01, v38;
	v36 =	vimm.f32 $0.0e+00;
	v33 =	vmin.f32 v35, $1.000000000e+00  }
0xfd: {  	s29 =	simm.s32 $0x0;
	s30 =	sadd.s32 $0x140, s28;
	v35 =	vimm.f32 $0.0e+00;
	v40 =	vmin.f32 v37, $1.000000000e+00;
	v37 =	vimm.f32 $0.0e+00  }
.LBB2_8:
0xfe: {  	v44 =	vld [tilespmem:s30+$0x50];
	s29 =	sadd.s32 $0x5, s29;
	v45 =	vsub.s32 $0x5F375A86, v34;
	v42 =	vsub.s32 $0x5F375A86, v42;
	v34 =	vmul.f32 v33, v12  }
0xff: {  	v26 =	vmul.f32 v40, v26;
	v28 =	vmul.f32 v40, v28;
	v46 =	vld [tilespmem:s30+$0x130];
	p0 =	slt.u32 s29, $0x2D;
	v43 =	vsub.f32 $1.500000000e+00, v43  }
0x100: {  	v29 =	vmul.f32 v40, v29;
	v47 =	vmul.f32 v42, v38;
	v12 =	vld [tilespmem:s30+$0x120]  }
0x101: {  	v25 =	vmul.f32 v40, v25;
	v32 =	vadd.f32 v26, v32;
	v38 =	vld [tilespmem:s30+$0x110];
	v26 =	vmul.f32 v39, v43  }
0x102: {  	v29 =	vadd.f32 v29, v36;
	v36 =	vmul.f32 v45, v41;
	v40 =	vmul.f32 v42, v47;
	v39 =	vld [tilespmem:s30+$0x100]  }
0x103: {  	v41 =	vmul.f32 v44, v44;
	v43 =	vld [tilespmem:s30+$0xF0];
	v26 =	vmul.f32 $1.000000000e+01, v26  }
0x104: {  	v48 =	vmul.f32 v33, v10;
	v36 =	vmul.f32 v45, v36;
	v40 =	vsub.f32 $1.500000000e+00, v40;
	v47 =	vld [tilespmem:s30+$0xA0];
	v10 =	vmovc v46  }
0x105: {  	v28 =	vadd.f32 v28, v35;
	v49 =	vld [tilespmem:s30+$0xD0];
	v50 =	vmul.f32 v12, v12;
	v35 =	vmin.f32 v26, $1.000000000e+00  }
0x106: {  	v37 =	vadd.f32 v25, v37;
	v25 =	vsub.f32 $1.500000000e+00, v36;
	v51 =	vld [tilespmem:s30+$0xC0];
	v52 =	vmul.f32 v35, v17;
	v17 =	vmovc v44  }
0x107: {  	v44 =	vmul.f32 v46, v10;
	v27 =	vmul.f32 v35, v27;
	v36 =	vld [tilespmem:s30+$0xB0]  }
0x108: {  	v46 =	vmul.f32 v38, v38;
	v45 =	vmul.f32 v45, v25;
	v26 =	vld [tilespmem:s30+$0x0]  }
0x109: {  	v54 =	vmul.f32 v35, v21;
	v53 =	vmul.f32 v43, v43;
	v21 =	vld [tilespmem:s30+$0x40]  }
0x10a: {  	v23 =	vmul.f32 v35, v23;
	v25 =	vld [tilespmem:s30+$0x20];
	v55 =	vmul.f32 v49, v49  }
0x10b: {  	v56 =	vmul.f32 v39, v39;
	v52 =	vadd.f32 v52, v28;
	v45 =	vmul.f32 $1.000000000e+01, v45;
	v35 =	vld [tilespmem:s30+$0x80]  }
0x10c: {  	v32 =	vadd.f32 v54, v32;
	v54 =	vadd.f32 v23, v29;
	v29 =	vmul.f32 v42, v40;
	v28 =	vld [tilespmem:s30+$0x10]  }
0x10d: {  	v37 =	vadd.f32 v27, v37;
	v42 =	vmul.f32 v33, v13;
	v13 =	vmovc v39;
	v40 =	vmul.f32 v26, v26;
	v23 =	vld [tilespmem:s30+$0x70]  }
0x10e: {  	v39 =	vmul.f32 v47, v47;
	v45 =	vmin.f32 v45, $1.000000000e+00;
	v27 =	vmul.f32 $1.000000000e+01, v29  }
0x10f: {  	v46 =	vadd.f32 v46, v56;
	v24 =	vmul.f32 v45, v24;
	v57 =	vmul.f32 v25, v25  }
0x110: {  	v58 =	vmul.f32 v45, v19;
	v59 =	vmin.f32 v27, $1.000000000e+00;
	v29 =	vld [tilespmem:s30+$0x30];
	v56 =	vmul.f32 v35, v35;
	v19 =	vmovc v35  }
0x111: {  	v46 =	vadd.f32 v50, v46;
	v50 =	vmul.f32 v45, v22;
	v22 =	vmovc v36;
	v35 =	vmul.f32 v28, v28;
	v27 =	vld [tilespmem:s30+$0x60]  }
0x112: {  	v52 =	vadd.f32 v24, v52;
	v61 =	vmul.f32 v59, v15;
	v15 =	vmovc v49;
	v60 =	vmul.f32 v23, v23  }
0x113: {  	v32 =	vadd.f32 v58, v32;
	v24 =	vadd.f32 v35, v40;
	v35 =	vmul.f32 v21, v21  }
0x114: {  	v49 =	vmul.f32 v59, v20;
	v20 =	vmovc v43;
	v40 =	vmul.f32 v36, v22;
	v36 =	vadd.f32 v50, v54  }
0x115: {  	v54 =	vmul.f32 v59, v18;
	v43 =	vadd.f32 v57, v24;
	v50 =	vmul.f32 v29, v29;
	v18 =	vld [tilespmem:s30+$0xE0]  }
0x116: {  	v45 =	vmul.f32 v45, v14;
	v14 =	vmovc v47;
	v44 =	vadd.f32 v44, v46;
	v57 =	vmul.f32 v27, v27;
	v24 =	vld [tilespmem:s30+$0x90]  }
0x117: {  	v35 =	vadd.f32 v41, v35;
	v41 =	vmul.f32 v51, v51;
	v43 =	vadd.f32 v50, v43  }
0x118: {  	v37 =	vadd.f32 v45, v37;
	v46 =	vperm.xlane v44, v6;
	v36 =	vadd.f32 v49, v36  }
0x119: {  	v47 =	vmul.f32 v59, v16;
	v16 =	vmovc v51;
	v41 =	vadd.f32 v55, v41;
	v45 =	vperm.xlane v43, v6  }
0x11a: {  	v44 =	vadd.f32 v44, v46;
	v37 =	vadd.f32 v54, v37;
	v49 =	vmul.f32 v18, v18  }
0x11b: {  	v32 =	vadd.f32 v47, v32;
	v43 =	vadd.f32 v43, v45;
	v45 =	vmul.f32 v24, v24  }
0x11c: {  	v47 =	vadd.f32 v61, v52;
	v46 =	vperm.xlane v44, v7;
	v41 =	vadd.f32 v49, v41  }
0x11d: {  	v32 =	vadd.f32 v42, v32;
	v35 =	vadd.f32 v57, v35;
	v49 =	vperm.xlane v43, v7  }
0x11e: {  	v42 =	vadd.f32 v44, v46;
	v36 =	vadd.f32 v48, v36  }
0x11f: {  	v33 =	vmul.f32 v33, v11;
	v11 =	vmovc v38;
	v44 =	vadd.f32 v45, v56;
	v43 =	vadd.f32 v43, v49  }
0x120: {  	v38 =	vadd.f32 v60, v35;
	v45 =	vperm.xlane v42, v8;
	v41 =	vadd.f32 v53, v41  }
0x121: {  	v35 =	vadd.f32 v33, v47;
	v39 =	vadd.f32 v39, v44;
	v46 =	vperm.xlane v43, v8  }
0x122: {  	v33 =	vperm.xlane v38, v6;
	v42 =	vadd.f32 v42, v45;
	v44 =	vperm.xlane v41, v6  }
0x123: {  	v39 =	vadd.f32 v40, v39;
	v43 =	vadd.f32 v43, v46  }
0x124: {  	v33 =	vadd.f32 v38, v33;
	v40 =	vperm.xlane v42, v5;
	v38 =	vadd.f32 v41, v44  }
0x125: {  	v37 =	vadd.f32 v34, v37;
	v44 =	vperm.xlane v39, v6;
	v41 =	vperm.xlane v43, v5  }
0x126: {  	v34 =	vperm.xlane v33, v7;
	v40 =	vadd.f32 v42, v40;
	v45 =	vperm.xlane v38, v7  }
0x127: {  	v39 =	vadd.f32 v39, v44;
	v41 =	vadd.f32 v43, v41  }
0x128: {  	v33 =	vadd.f32 v33, v34;
	v34 =	vadd.f32 v38, v45  }
0x129: {  	v40 =	vmax.f32 v40, $1.000000000e+00;
	v38 =	vperm.xlane v39, v7  }
0x12a: {  	v42 =	vperm.xlane v33, v8;
	v43 =	vshra.s32 v40, $0x1;
	v41 =	vmax.f32 v41, $1.000000000e+00  }
0x12b: {  	v43 =	vsub.s32 $0x5F375A86, v43;
	v38 =	vadd.f32 v39, v38;
	v44 =	vshra.s32 v41, $0x1  }
0x12c: {  	v33 =	vadd.f32 v33, v42;
	v39 =	vmul.f32 $5.000000000e-01, v41;
	v41 =	vperm.xlane v34, v8  }
0x12d: {  	v40 =	vmul.f32 $5.000000000e-01, v40;
	v42 =	vsub.s32 $0x5F375A86, v44;
	v44 =	vperm.xlane v38, v8  }
0x12e: {  	v45 =	vperm.xlane v33, v5;
	v39 =	vmul.f32 v42, v39  }
0x12f: {  	v40 =	vmul.f32 v43, v40;
	v38 =	vadd.f32 v38, v44  }
0x130: {  	v33 =	vadd.f32 v33, v45;
	v39 =	vmul.f32 v42, v39  }
0x131: {  	v40 =	vmul.f32 v43, v40;
	v34 =	vadd.f32 v34, v41;
	v44 =	vperm.xlane v38, v5  }
0x132: {  	v33 =	vmax.f32 v33, $1.000000000e+00;
	v39 =	vsub.f32 $1.500000000e+00, v39  }
0x133: {  	v41 =	vshra.s32 v33, $0x1;
	v40 =	vsub.f32 $1.500000000e+00, v40;
	v45 =	vperm.xlane v34, v5  }
0x134: {  	v33 =	vmul.f32 $5.000000000e-01, v33;
	v38 =	vadd.f32 v38, v44;
	v42 =	vmul.f32 v42, v39  }
.Ltmp2:
0x135: {  	v40 =	vmul.f32 v43, v40;
	v39 =	vsub.s32 $0x5F375A86, v41;
	v41 =	vadd.f32 v34, v45;
	(pc) =	sbr.rel @p0 .LBB2_8-.Ltmp2, $4  }
0x136: {  	v33 =	vmul.f32 v39, v33;
	v38 =	vmax.f32 v38, $1.000000000e+00;
	v42 =	vmul.f32 $1.000000000e+01, v42  }
0x137: {  	v45 =	vmul.f32 $1.000000000e+01, v40;
	v34 =	vshra.s32 v38, $0x1;
	v44 =	vmax.f32 v41, $1.000000000e+00  }
0x138: {  	v41 =	vmul.f32 $5.000000000e-01, v38;
	v40 =	vmin.f32 v42, $1.000000000e+00;
	v42 =	vshra.s32 v44, $0x1  }
0x139: {  	s30 =	sadd.s32 $0x140, s30;
	v43 =	vmul.f32 v39, v33;
	v38 =	vmul.f32 $5.000000000e-01, v44;
	v33 =	vmin.f32 v45, $1.000000000e+00  }
0x13a: {  	v34 =	vsub.s32 $0x5F375A86, v34  }
0x13b: {  	v26 =	vmul.f32 v40, v26;
	v28 =	vmul.f32 v40, v28;
	v42 =	vsub.s32 $0x5F375A86, v42  }
0x13c: {  	v29 =	vmul.f32 v40, v29;
	v43 =	vsub.f32 $1.500000000e+00, v43;
	v41 =	vmul.f32 v34, v41  }
0x13d: {  	v25 =	vmul.f32 v40, v25;
	v38 =	vmul.f32 v42, v38  }
0x13e: {  	v39 =	vmul.f32 v39, v43;
	v41 =	vmul.f32 v34, v41  }
0x13f: {  	v30 =	vadd.f32 v30, v31;
	v13 =	vmul.f32 v33, v13;
	v53 =	vmul.f32 v42, v38  }
0x140: {  	v11 =	vmul.f32 v33, v11;
	v39 =	vmul.f32 $1.000000000e+01, v39;
	v55 =	vsub.f32 $1.500000000e+00, v41  }
0x141: {  	v26 =	vadd.f32 v26, v32;
	v30 =	vmax.f32 v30, $9.999999680e-21;
	v32 =	vsub.f32 $1.500000000e+00, v53  }
0x142: {  	(erf) = vrcp.f32 v30;
	v54 =	vmin.f32 v39, $1.000000000e+00;
	v34 =	vmul.f32 v34, v55  }
0x143: {  	v29 =	vadd.f32 v29, v36;
	v32 =	vmul.f32 v42, v32;
	v17 =	vmul.f32 v54, v17  }
0x144: {  	v28 =	vadd.f32 v28, v35;
	v27 =	vmul.f32 v54, v27;
	v56 =	vmul.f32 $1.000000000e+01, v34  }
0x145: {  	v25 =	vadd.f32 v25, v37;
	v21 =	vmul.f32 v54, v21;
	v23 =	vmul.f32 v54, v23  }
0x146: {  	v58 =	vmul.f32 $1.000000000e+01, v32;
	v17 =	vadd.f32 v17, v28;
	v57 =	vmin.f32 v56, $1.000000000e+00  }
0x147: {  	v21 =	vadd.f32 v21, v26;
	v23 =	vadd.f32 v23, v29;
	v19 =	vmul.f32 v57, v19  }
0x148: {  	v25 =	vadd.f32 v27, v25;
	v59 =	vmin.f32 v58, $1.000000000e+00;
	v24 =	vmul.f32 v57, v24  }
0x149: {  	v14 =	vmul.f32 v57, v14;
	v16 =	vmul.f32 v59, v16;
	v19 =	vadd.f32 v19, v21  }
0x14a: {  	v22 =	vmul.f32 v57, v22;
	v15 =	vmul.f32 v59, v15;
	v17 =	vadd.f32 v24, v17  }
0x14b: {  	v18 =	vmul.f32 v59, v18;
	v14 =	vadd.f32 v14, v25;
	v16 =	vadd.f32 v16, v19  }
0x14c: {  	v61 =	vmul.f32 v59, v20;
	v60 =	vadd.f32 v22, v23;
	v15 =	vadd.f32 v15, v17  }
0x14d: {  	v12 =	vmul.f32 v33, v12;
	v14 =	vadd.f32 v18, v14;
	v13 =	vadd.f32 v13, v16  }
0x14e: {  	v10 =	vmul.f32 v33, v10;
	s0 =	sshll.u32 s26, $0x6;
	s26 =	sadd.s32 $0x1, s26;
	v63 =	vpop (erf);
	v62 =	vadd.f32 v61, v60;
	v11 =	vadd.f32 v11, v15  }
0x14f: {  	p0 =	sne.s32 s26, $0x8;
	v12 =	vadd.f32 v12, v14;
	v13 =	vmul.f32 v13, v63  }
.Ltmp3:
0x150: {  	s0 =	sand.u32 $0x3FFFFFC0, s0;
	v10 =	vadd.f32 v10, v62;
	v11 =	vmul.f32 v11, v63;
	(pc) =	sbr.rel @p0 .LBB2_7-.Ltmp3, $4  }
0x151: {  	v12 =	vmul.f32 v12, v63;
	[tilespmem:v9+s0+$0x0 ss:$0x1] =	vst.idx.msk $0xffff, v13  }
0x152: {  	v10 =	vmul.f32 v10, v63;
	[tilespmem:v9+s0+$0x10 ss:$0x1] =	vst.idx.msk $0xffff, v11  }
0x153: {  	[tilespmem:v9+s0+$0x20 ss:$0x1] =	vst.idx.msk $0xffff, v12  }
0x154: {  	s28 =	sadd.s32 $0xC80, s28;
	[tilespmem:v9+s0+$0x30 ss:$0x1] =	vst.idx.msk $0xffff, v10  }
0x155: {  	s24 =	sadd.s32 $0x1, s24  }
0x156: {  	p0 =	sne.s32 s24, $0x10  }
.Ltmp4:
0x157: {  	_ = 	snop;
	(pc) =	sbr.rel @p0 .LBB2_2-.Ltmp4, $1  }
0x158: {  	_ =	sdelay $0x3  }
0x159: {  	s23 =	sadd.s32 $0x1, s23  }
0x15a: {  	p0 =	sne.s32 s23, s6  }
.Ltmp5:
0x15b: {  	_ = 	snop;
	(pc) =	sbr.rel @p0 .LBB2_1-.Ltmp5, $4  }
0x15c: {  	[hbm4b:s5+s2] =	stream.linear.scatter [tilespmem:s22], [sflag:$0x3], $0x4000, $0x38;
	[tilespmem:$0x13C00] =	vst v63  }
0x15d: {  	_ =	swait.ge [sflag:s7], $0x4000  }
0x15e: {  	[sflag:s7] =	ssyncset.done $0x0  }
0x15f: {  	[sflag:s7] =	ssyncadd.s32 $0xFFFFC000  }
0x160: {  	_ =	sfence.sel $0x180000  }
0x161: {  	[bflag:$0x0] =	sbarrier.arrive $0xFFFF  }
0x162: {  	_ =	strace $0x90000047  }
0x163: {  	s0 =	stileid.u32;
	[bflag:$0x2] =	sbarrier.arrive $0xFFFF  }
0x164: {  	p0 =	sne.s32 s0, $0x0;
	s0 =	rddreg [dreg:$0x1]  }
0x165: {  	s0 =	sadd.s32 @!p0 $0x100000, s0  }
0x166: {  	[sflag:s0] =	ssyncadd.tile.s32 @!p0 $0x1;
	_ =	shalt  }
.Lfunc_end2:
_tile_overlayer_lowered:
.L_overlay_start_2:
0x167: {  	(tag) =	ssettag $0x2  }
0x168: {  	s0 =	rddreg [dreg:$0x0];
	s2 =	stileid.u32  }
0x169: {  	s1 =	rddreg [dreg:$0x1];
	p0 =	sne.s32 s2, $0x0  }
0x16a: {  	s3 =	rddreg [dreg:$0x2];
	[bflag:$0x3] =	sbarrier.arrive $0xFFFF;
	s2 =	simm.s32 @!p0 $0x1C03  }
0x16b: {  	[timem:s3], [sflag:s2] =	dma.local @!p0 [hbm:s0], s1  }
0x16c: {  	s0 =	simm.s32 @!p0 $0x3  }
0x16d: {  	_ =	swait.ge @!p0 [sflag:s0], s1  }
0x16e: {  	s1 =	ssub.s32 @!p0 $0x0, s1;
	[sflag:s0] =	ssyncset.done @!p0 $0x0  }
0x16f: {  	[sflag:s0] =	ssyncadd.s32 @!p0 s1  }
0x170: {  	[bflag:$0x3] =	sbarrier.arrive $0xFFFF  }
0x171: {  	_ =	shalt  }

</sc_bundles>
